<compile_context>
chip_gen: v7x
topology: tpu7x:2x2x1
jax: 0.10.2.dev20260603
libtpu: 0.0.44.dev20260713+nightly
codegen_flags: <defaults>
</compile_context>

<pallas_src>
import functools

import jax
import jax.numpy as jnp
from jax.experimental import pallas as pl
from jax.experimental.pallas import tpu as pltpu
from jax.experimental.pallas import tpu_sc as plsc

_NUM_GROUPS = 2
_NUM_VARS = 320
_GPAD = 384
_NP2 = _NUM_GROUPS * _GPAD
_VQ_DIM = 128
_HIDDEN = 512
_BLK_T = 2048
_WINDOW = 256
_NEG = -3.0e38


def _tc_body(hs_ref, w_ref, b_ref, idx_ref, perp_ref, c_ref,
             *, num_blocks, tokens):
    i = pl.program_id(0)
    raw = jnp.dot(hs_ref[...], w_ref[...], preferred_element_type=jnp.float32)
    lb = raw + b_ref[...]
    l0 = lb[:, 0:_GPAD]
    l1 = lb[:, _GPAD:_NP2]
    i0 = jnp.argmax(l0, axis=1, keepdims=True)
    i1 = jnp.argmax(l1, axis=1, keepdims=True)
    idx_ref[:, 0:1] = i0.astype(jnp.int32)
    idx_ref[:, 1:2] = i1.astype(jnp.int32) + _NUM_VARS
    lane = jax.lax.broadcasted_iota(jnp.int32, l0.shape, 1)
    p0 = jnp.sum(jnp.where(lane == i0, 1.0, 0.0), axis=0, keepdims=True)
    p1 = jnp.sum(jnp.where(lane == i1, 1.0, 0.0), axis=0, keepdims=True)
    partial = jnp.concatenate([p0, p1], axis=1)
    c_ref[...] = jnp.where(i == 0, partial, c_ref[...] + partial)

    @pl.when(i == num_blocks - 1)
    def _():
        p = c_ref[...] * (1.0 / tokens)
        t = p * jnp.log(p + 1e-7)
        e0 = jnp.sum(t[:, 0:_GPAD], keepdims=True)
        e1 = jnp.sum(t[:, _GPAD:_NP2], keepdims=True)
        perp_ref[...] = jnp.exp(-e0) + jnp.exp(-e1)


def _tc_select(hs2, wp, bp, tokens):
    num_blocks = tokens // _BLK_T
    body = functools.partial(_tc_body, num_blocks=num_blocks, tokens=tokens)
    return pl.pallas_call(
        body,
        grid=(num_blocks,),
        in_specs=[
            pl.BlockSpec((_BLK_T, _HIDDEN), lambda i: (i, 0)),
            pl.BlockSpec((_HIDDEN, _NP2), lambda i: (0, 0)),
            pl.BlockSpec((1, _NP2), lambda i: (0, 0)),
        ],
        out_specs=[
            pl.BlockSpec((_BLK_T, _NUM_GROUPS), lambda i: (i, 0)),
            pl.BlockSpec((1, 1), lambda i: (0, 0)),
        ],
        out_shape=[
            jax.ShapeDtypeStruct((tokens, _NUM_GROUPS), jnp.int32),
            jax.ShapeDtypeStruct((1, 1), jnp.float32),
        ],
        scratch_shapes=[
            pltpu.VMEM((1, _NP2), jnp.float32),
        ],
    )(hs2, wp, bp)


def _sc_gather(cv2, idx_flat, num_idx):
    mesh = plsc.VectorSubcoreMesh(core_axis_name="core",
                                  subcore_axis_name="subcore")
    nwin = num_idx // _WINDOW
    half = nwin // 2

    @pl.kernel(out_type=jax.ShapeDtypeStruct((num_idx, _VQ_DIM), jnp.float32),
               mesh=mesh)
    def k(cv_hbm, i_hbm, o_hbm):
        def body(i_vmem, o_vmem):
            pltpu.sync_copy(cv_hbm.at[i_vmem.at[0]], o_vmem)

        pltpu.emit_pipeline(
            body,
            grid=(2, half),
            in_specs=[pl.BlockSpec((1, _WINDOW),
                                   index_map=lambda c, i: (0, c * half + i))],
            out_specs=[pl.BlockSpec((_WINDOW, _VQ_DIM),
                                    index_map=lambda c, i: (c * half + i, 0))],
            core_axis_name=("core", "subcore"),
            dimension_semantics=(pltpu.PARALLEL, pltpu.PARALLEL),
        )(i_hbm, o_hbm)

    return k(cv2, idx_flat)


def kernel(hidden_states, codevectors, W, b):
    batch, seq, hidden = hidden_states.shape
    tokens = batch * seq
    hs2 = hidden_states.reshape(tokens, hidden)
    w4 = W.reshape(hidden, _NUM_GROUPS, _NUM_VARS)
    wp = jnp.pad(w4, ((0, 0), (0, 0), (0, _GPAD - _NUM_VARS)))
    wp = wp.reshape(hidden, _NP2)
    b4 = b.reshape(1, _NUM_GROUPS, _NUM_VARS)
    bp = jnp.pad(b4, ((0, 0), (0, 0), (0, _GPAD - _NUM_VARS)),
                 constant_values=_NEG)
    bp = bp.reshape(1, _NP2)
    idx, perp = _tc_select(hs2, wp, bp, tokens)

    cv2 = codevectors.reshape(_NUM_GROUPS * _NUM_VARS, _VQ_DIM)
    num_idx = tokens * _NUM_GROUPS
    gathered = _sc_gather(cv2, idx.reshape(1, num_idx), num_idx)
    cv = gathered.reshape(batch, seq, _NUM_GROUPS * _VQ_DIM)
    return (cv, perp.reshape(()))

# --- scband reference (transcript-rebuilt; emitter-appended) ---
"""Pipeline reference for scband-flax-wav2-vec2-gumbel-vector-quantizer-55327768707929 (READ-ONLY COPY).

The authoritative reference and input builder live on the scoring server;
editing this copy changes nothing except your own understanding.
"""

import jax, jax.numpy as jnp
import numpy as np

NUM_GROUPS = 2
NUM_VARS = 320
CODEVECTOR_DIM = 256
HIDDEN = 512
B, S = 8, 2048


def setup_inputs(seed: int = 0) -> dict:
    key = jax.random.key(seed)
    k1, k2, k3 = jax.random.split(key, 3)
    hidden_states = jax.random.normal(k1, (B, S, HIDDEN), dtype=jnp.float32)
    # param 'codevectors': jax.nn.initializers.uniform() default scale 1e-2
    codevectors = jax.random.uniform(k2, (1, NUM_GROUPS * NUM_VARS, CODEVECTOR_DIM // NUM_GROUPS), dtype=jnp.float32, minval=0.0, maxval=0.01)
    # weight_proj: Dense(num_groups*num_vars) with kernel_init normal(1.0), zero bias
    W = jax.random.normal(k3, (HIDDEN, NUM_GROUPS * NUM_VARS), dtype=jnp.float32)
    b = jnp.zeros((NUM_GROUPS * NUM_VARS,), dtype=jnp.float32)
    return {"hidden_states": hidden_states, "codevectors": codevectors, "W": W, "b": b}


def _compute_perplexity(probs, mask=None):
    if mask is not None:
        mask_extended = jnp.broadcast_to(mask.flatten()[:, None, None], probs.shape)
        probs = jnp.where(mask_extended, probs, jnp.zeros_like(probs))
        marginal_probs = probs.sum(axis=0) / mask.sum()
    else:
        marginal_probs = probs.mean(axis=0)
    perplexity = jnp.exp(-jnp.sum(marginal_probs * jnp.log(marginal_probs + 1e-07), axis=-1)).sum()
    return perplexity


def reference(hidden_states, codevectors, W, b):
    batch_size, sequence_length, hidden_size = hidden_states.shape
    # weight_proj
    hs = jnp.dot(hidden_states, W) + b
    hs = hs.reshape(batch_size * sequence_length * NUM_GROUPS, -1)
    # deterministic=True path: hard argmax one-hot
    codevector_idx = jnp.argmax(hs, axis=-1)
    codevector_probs = jax.nn.one_hot(codevector_idx, hs.shape[-1]) * 1.0
    codevector_probs = codevector_probs.reshape(batch_size * sequence_length, NUM_GROUPS, -1)
    perplexity = _compute_perplexity(codevector_probs, None)
    codevector_probs = codevector_probs.reshape(batch_size * sequence_length, -1)
    codevectors_per_group = jnp.expand_dims(codevector_probs, axis=-1) * codevectors
    cv = codevectors_per_group.reshape(batch_size * sequence_length, NUM_GROUPS, NUM_VARS, -1)
    cv = cv.sum(-2).reshape(batch_size, sequence_length, -1)
    return (cv, perplexity)

if __name__ == "__main__":
    import jax
    _d = setup_inputs()
    print(jax.jit(kernel)(*tuple(_d.values())))

</pallas_src>

<mosaic_0001>
#map = affine_map<(d0, d1) -> (0, 0)>
module attributes {stable_mosaic.version = 14 : i64} {
  func.func @k(%arg0: i32, %arg1: i32, %arg2: memref<640x128xf32, #tpu.memory_space<hbm>>, %arg3: memref<1x32768xi32, #tpu.memory_space<hbm>>, %arg4: memref<32768x128xf32, #tpu.memory_space<hbm>>) attributes {dimension_semantics = [#tpu.dimension_semantics<core_parallel>, #tpu.dimension_semantics<subcore_parallel>], iteration_bounds = array<i64: 2, 16>, scalar_prefetch = 0 : i64, scratch_operands = 0 : i64, tpu.core_type = #tpu.core_type<sc_vector_subcore>, window_params = [{transform_indices = #map}, {transform_indices = #map}, {transform_indices = #map}]} {
    %mul3A = arith.constant 1 : i32
    %mul3A_0 = arith.muli %arg1, %mul3A : i32
    %add3A = arith.constant 0 : i32
    %add3A_1 = arith.addi %add3A, %mul3A_0 : i32
    %mul3A_2 = arith.constant 16 : i32
    %mul3A_3 = arith.muli %arg0, %mul3A_2 : i32
    %add3A_4 = arith.addi %add3A_1, %mul3A_3 : i32
    %mul3A_5 = arith.constant 2 : i32
    %mul3A_6 = arith.muli %add3A_4, %mul3A_5 : i32
    "tpu.region"() ({
      %run_scoped3A = memref.alloca() : memref<2x1x256xi32, #tpu.memory_space<vmem>>
      %run_scoped3A_7 = tpu.sem_alloc : memref<2x!tpu.dma_semaphore, #tpu.memory_space<semaphore_mem>>
      %run_scoped3A_8 = memref.alloca() : memref<2x256x128xf32, #tpu.memory_space<vmem>>
      %run_scoped3A_9 = tpu.sem_alloc : memref<2x!tpu.dma_semaphore, #tpu.memory_space<semaphore_mem>>
      %add3A_10 = arith.constant 0 : i32
      %add3A_11 = arith.addi %add3A_10, %mul3A_6 : i32
      %select_n3A = arith.constant true
      %select_n3A_12 = arith.constant 0 : i32
      %select_n3A_13 = arith.constant -1 : i32
      %select_n3A_14 = arith.select %select_n3A, %select_n3A_13, %select_n3A_12 : i32
      %eq3A = arith.constant -1 : i32
      %eq3A_15 = arith.cmpi eq, %select_n3A_14, %eq3A : i32
      %select_n3A_16 = arith.constant 1 : i32
      %select_n3A_17 = arith.select %eq3A_15, %select_n3A_16, %select_n3A_14 : i32
      %select_n3A_18 = arith.constant 0 : i32
      %select_n3A_19 = arith.constant -1 : i32
      %select_n3A_20 = arith.select %eq3A_15, %select_n3A_19, %select_n3A_18 : i32
      %eq3A_21 = arith.constant -1 : i32
      %eq3A_22 = arith.cmpi eq, %select_n3A_20, %eq3A_21 : i32
      %select_n3A_23 = arith.constant 1 : i32
      %select_n3A_24 = arith.select %eq3A_22, %select_n3A_23, %select_n3A_20 : i32
      %add3A_25 = arith.constant 0 : i32
      %add3A_26 = arith.addi %select_n3A_24, %add3A_25 : i32
      %add3A_27 = arith.addi %select_n3A_17, %mul3A_6 : i32
      %select_n3A_28 = arith.constant true
      %select_n3A_29 = arith.constant 0 : i32
      %select_n3A_30 = arith.constant 1 : i32
      %select_n3A_31 = arith.select %select_n3A_28, %select_n3A_30, %select_n3A_29 : i32
      %eq3A_32 = arith.constant 2 : i32
      %eq3A_33 = arith.cmpi eq, %select_n3A_31, %eq3A_32 : i32
      %select_n3A_34 = arith.constant 0 : i32
      %select_n3A_35 = arith.select %eq3A_33, %select_n3A_34, %select_n3A_31 : i32
      %select_n3A_36 = arith.constant 0 : i32
      %select_n3A_37 = arith.constant 1 : i32
      %select_n3A_38 = arith.select %eq3A_33, %select_n3A_37, %select_n3A_36 : i32
      %eq3A_39 = arith.constant 2 : i32
      %eq3A_40 = arith.cmpi eq, %select_n3A_38, %eq3A_39 : i32
      %select_n3A_41 = arith.constant 0 : i32
      %select_n3A_42 = arith.select %eq3A_40, %select_n3A_41, %select_n3A_38 : i32
      %add3A_43 = arith.constant 0 : i32
      %add3A_44 = arith.addi %select_n3A_42, %add3A_43 : i32
      %add3A_45 = arith.addi %select_n3A_35, %mul3A_6 : i32
      %add3A_46 = arith.constant 1 : i32
      %add3A_47 = arith.addi %select_n3A_35, %add3A_46 : i32
      %select_n3A_48 = arith.constant true
      %select_n3A_49 = arith.select %select_n3A_48, %add3A_47, %select_n3A_35 : i32
      %eq3A_50 = arith.constant 2 : i32
      %eq3A_51 = arith.cmpi eq, %select_n3A_49, %eq3A_50 : i32
      %select_n3A_52 = arith.constant 0 : i32
      %select_n3A_53 = arith.select %eq3A_51, %select_n3A_52, %select_n3A_49 : i32
      %add3A_54 = arith.constant 1 : i32
      %add3A_55 = arith.addi %select_n3A_42, %add3A_54 : i32
      %select_n3A_56 = arith.select %eq3A_51, %add3A_55, %select_n3A_42 : i32
      %eq3A_57 = arith.constant 2 : i32
      %eq3A_58 = arith.cmpi eq, %select_n3A_56, %eq3A_57 : i32
      %select_n3A_59 = arith.constant 0 : i32
      %select_n3A_60 = arith.select %eq3A_58, %select_n3A_59, %select_n3A_56 : i32
      %add3A_61 = arith.constant 0 : i32
      %add3A_62 = arith.addi %select_n3A_60, %add3A_61 : i32
      %add3A_63 = arith.addi %select_n3A_53, %mul3A_6 : i32
      "tpu.trace_start"() <{level = 10 : i32, message = "ep_initialize_0"}> : () -> ()
      %rem3A = arith.constant 0 : i32
      %rem3A_64 = arith.constant 2 : i32
      %rem3A_65 = arith.remui %rem3A, %rem3A_64 : i32
      %add3A_66 = arith.constant 0 : i32
      %add3A_67 = arith.addi %add3A_66, %add3A_11 : i32
      %mul3A_68 = arith.constant 256 : i32
      %mul3A_69 = arith.muli %mul3A_68, %add3A_67 : i32
      %dma_start3A = arith.constant 0 : i32
      %dma_start3A_70 = arith.constant 0 : i32
      %dma_start3A_71 = tpu.memref_slice %run_scoped3A[%rem3A_65, %dma_start3A, %dma_start3A_70] : memref<2x1x256xi32, #tpu.memory_space<vmem>> -> memref<1x1x256xi32, #tpu.memory_space<vmem>>
      %dma_start3A_72 = tpu.memref_squeeze %dma_start3A_71 : memref<1x1x256xi32, #tpu.memory_space<vmem>> -> memref<1x256xi32, #tpu.memory_space<vmem>>
      %dma_start3A_73 = arith.constant 0 : i32
      %dma_start3A_74 = tpu.memref_slice %arg3[%dma_start3A_73, %mul3A_69] : memref<1x32768xi32, #tpu.memory_space<hbm>> -> memref<1x256xi32, #tpu.memory_space<hbm>>
      %dma_start3A_75 = tpu.memref_slice %run_scoped3A_7[%rem3A_65] : memref<2x!tpu.dma_semaphore, #tpu.memory_space<semaphore_mem>> -> memref<1x!tpu.dma_semaphore, #tpu.memory_space<semaphore_mem>>
      %dma_start3A_76 = tpu.memref_squeeze %dma_start3A_75 : memref<1x!tpu.dma_semaphore, #tpu.memory_space<semaphore_mem>> -> memref<!tpu.dma_semaphore, #tpu.memory_space<semaphore_mem>>
      %dma_start3A_77 = arith.constant 0 : i32
      %dma_start3A_78 = arith.constant 0 : i32
      %dma_start3A_79 = tpu.memref_slice %run_scoped3A[%rem3A_65, %dma_start3A_77, %dma_start3A_78] : memref<2x1x256xi32, #tpu.memory_space<vmem>> -> memref<1x1x256xi32, #tpu.memory_space<vmem>>
      %dma_start3A_80 = tpu.memref_squeeze %dma_start3A_79 : memref<1x1x256xi32, #tpu.memory_space<vmem>> -> memref<1x256xi32, #tpu.memory_space<vmem>>
      %dma_start3A_81 = arith.constant 0 : i32
      %dma_start3A_82 = tpu.memref_slice %arg3[%dma_start3A_81, %mul3A_69] : memref<1x32768xi32, #tpu.memory_space<hbm>> -> memref<1x256xi32, #tpu.memory_space<hbm>>
      tpu.enqueue_dma source(%dma_start3A_82 : memref<1x256xi32, #tpu.memory_space<hbm>>) target(%dma_start3A_80 : memref<1x256xi32, #tpu.memory_space<vmem>>) target_semaphore(%dma_start3A_76 : memref<!tpu.dma_semaphore, #tpu.memory_space<semaphore_mem>>)
      %add3A_83 = arith.constant 0 : i32
      %add3A_84 = arith.constant 1 : i32
      %add3A_85 = arith.addi %add3A_83, %add3A_84 : i32
      %select_n3A_86 = arith.constant true
      %select_n3A_87 = arith.constant 0 : i32
      %select_n3A_88 = arith.select %select_n3A_86, %add3A_85, %select_n3A_87 : i32
      "tpu.trace_stop"() : () -> ()
      %scan3A = arith.constant 0 : i32
      %scan3A_89 = arith.constant 0 : i32
      %scan3A_90 = arith.constant 0 : i32
      %scan3A_91 = arith.constant 0 : i32
      %scan3A_92 = arith.constant 0 : i32
      %scan3A_93 = arith.constant 0 : i32
      %scan3A_94 = arith.constant 4 : i32
      %scan3A_95 = arith.addi %scan3A_93, %scan3A_94 : i32
      %scan3A_96 = arith.constant 1 : i32
      %scan3A_97:6 = scf.for %scan3A_190 = %scan3A_93 to %scan3A_95 step %scan3A_96 iter_args(%scan3A_191 = %select_n3A_88, %scan3A_192 = %scan3A, %scan3A_193 = %scan3A_89, %scan3A_194 = %scan3A_90, %scan3A_195 = %scan3A_91, %scan3A_196 = %scan3A_92) -> (i32, i32, i32, i32, i32, i32)  : i32 {
        %eq3A_197 = arith.constant 0 : i32
        %eq3A_198 = arith.cmpi eq, %scan3A_190, %eq3A_197 : i32
        %eq3A_199 = arith.constant 3 : i32
        %eq3A_200 = arith.cmpi eq, %scan3A_190, %eq3A_199 : i32
        %add3A_201 = arith.constant 0 : i32
        %add3A_202 = arith.addi %scan3A_195, %add3A_201 : i32
        %add3A_203 = arith.addi %scan3A_196, %mul3A_6 : i32
        %sub3A_204 = arith.constant 1 : i32
        %sub3A_205 = arith.subi %scan3A_196, %sub3A_204 : i32
        %select_n3A_206 = arith.constant true
        %select_n3A_207 = arith.select %select_n3A_206, %sub3A_205, %scan3A_196 : i32
        %eq3A_208 = arith.constant -1 : i32
        %eq3A_209 = arith.cmpi eq, %select_n3A_207, %eq3A_208 : i32
        %select_n3A_210 = arith.constant 1 : i32
        %select_n3A_211 = arith.select %eq3A_209, %select_n3A_210, %select_n3A_207 : i32
        %sub3A_212 = arith.constant 1 : i32
        %sub3A_213 = arith.subi %scan3A_195, %sub3A_212 : i32
        %select_n3A_214 = arith.select %eq3A_209, %sub3A_213, %scan3A_195 : i32
        %eq3A_215 = arith.constant -1 : i32
        %eq3A_216 = arith.cmpi eq, %select_n3A_214, %eq3A_215 : i32
        %select_n3A_217 = arith.constant 1 : i32
        %select_n3A_218 = arith.select %eq3A_216, %select_n3A_217, %select_n3A_214 : i32
        %add3A_219 = arith.constant 0 : i32
        %add3A_220 = arith.addi %select_n3A_218, %add3A_219 : i32
        %add3A_221 = arith.addi %select_n3A_211, %mul3A_6 : i32
        %add3A_222 = arith.constant 1 : i32
        %add3A_223 = arith.addi %scan3A_196, %add3A_222 : i32
        %select_n3A_224 = arith.constant true
        %select_n3A_225 = arith.select %select_n3A_224, %add3A_223, %scan3A_196 : i32
        %eq3A_226 = arith.constant 2 : i32
        %eq3A_227 = arith.cmpi eq, %select_n3A_225, %eq3A_226 : i32
        %select_n3A_228 = arith.constant 0 : i32
        %select_n3A_229 = arith.select %eq3A_227, %select_n3A_228, %select_n3A_225 : i32
        %add3A_230 = arith.constant 1 : i32
        %add3A_231 = arith.addi %scan3A_195, %add3A_230 : i32
        %select_n3A_232 = arith.select %eq3A_227, %add3A_231, %scan3A_195 : i32
        %eq3A_233 = arith.constant 2 : i32
        %eq3A_234 = arith.cmpi eq, %select_n3A_232, %eq3A_233 : i32
        %select_n3A_235 = arith.constant 0 : i32
        %select_n3A_236 = arith.select %eq3A_234, %select_n3A_235, %select_n3A_232 : i32
        %add3A_237 = arith.constant 0 : i32
        %add3A_238 = arith.addi %select_n3A_236, %add3A_237 : i32
        %add3A_239 = arith.addi %select_n3A_229, %mul3A_6 : i32
        %add3A_240 = arith.constant 1 : i32
        %add3A_241 = arith.addi %select_n3A_229, %add3A_240 : i32
        %select_n3A_242 = arith.constant true
        %select_n3A_243 = arith.select %select_n3A_242, %add3A_241, %select_n3A_229 : i32
        %eq3A_244 = arith.constant 2 : i32
        %eq3A_245 = arith.cmpi eq, %select_n3A_243, %eq3A_244 : i32
        %select_n3A_246 = arith.constant 0 : i32
        %select_n3A_247 = arith.select %eq3A_245, %select_n3A_246, %select_n3A_243 : i32
        %add3A_248 = arith.constant 1 : i32
        %add3A_249 = arith.addi %select_n3A_236, %add3A_248 : i32
        %select_n3A_250 = arith.select %eq3A_245, %add3A_249, %select_n3A_236 : i32
        %eq3A_251 = arith.constant 2 : i32
        %eq3A_252 = arith.cmpi eq, %select_n3A_250, %eq3A_251 : i32
        %select_n3A_253 = arith.constant 0 : i32
        %select_n3A_254 = arith.select %eq3A_252, %select_n3A_253, %select_n3A_250 : i32
        %add3A_255 = arith.constant 0 : i32
        %add3A_256 = arith.addi %select_n3A_254, %add3A_255 : i32
        %add3A_257 = arith.addi %select_n3A_247, %mul3A_6 : i32
        %mul3A_258 = arith.constant 64 : i32
        %mul3A_259 = arith.muli %add3A_202, %mul3A_258 : i32
        %add3A_260 = arith.addi %mul3A_259, %add3A_203 : i32
        %mul3A_261 = arith.constant 64 : i32
        %mul3A_262 = arith.muli %add3A_238, %mul3A_261 : i32
        %add3A_263 = arith.addi %mul3A_262, %add3A_239 : i32
        %ne3A = arith.cmpi ne, %add3A_260, %add3A_263 : i32
        %or3A = arith.constant false
        %or3A_264 = arith.ori %or3A, %ne3A : i1
        %ge3A = arith.constant 3 : i32
        %ge3A_265 = arith.cmpi sge, %scan3A_190, %ge3A : i32
        %not3A = arith.constant true
        %not3A_266 = arith.xori %ge3A_265, %not3A : i1
        %and3A = arith.andi %or3A_264, %not3A_266 : i1
        %convert_element_type3A = arith.extui %and3A : i1 to i32
        %cond3A = arith.constant 0 : i32
        %cond3A_267 = arith.cmpi ne, %convert_element_type3A, %cond3A : i32
        scf.if %cond3A_267 {
          "tpu.trace_start"() <{level = 10 : i32, message = "ep_copy_in"}> : () -> ()
          %rem3A_424 = arith.constant 2 : i32
          %rem3A_425 = arith.remui %scan3A_191, %rem3A_424 : i32
          %mul3A_426 = arith.constant 64 : i32
          %mul3A_427 = arith.muli %add3A_238, %mul3A_426 : i32
          %add3A_428 = arith.addi %mul3A_427, %add3A_239 : i32
          %mul3A_429 = arith.constant 256 : i32
          %mul3A_430 = arith.muli %mul3A_429, %add3A_428 : i32
          %dma_start3A_431 = arith.constant 0 : i32
          %dma_start3A_432 = arith.constant 0 : i32
          %dma_start3A_433 = tpu.memref_slice %run_scoped3A[%rem3A_425, %dma_start3A_431, %dma_start3A_432] : memref<2x1x256xi32, #tpu.memory_space<vmem>> -> memref<1x1x256xi32, #tpu.memory_space<vmem>>
          %dma_start3A_434 = tpu.memref_squeeze %dma_start3A_433 : memref<1x1x256xi32, #tpu.memory_space<vmem>> -> memref<1x256xi32, #tpu.memory_space<vmem>>
          %dma_start3A_435 = arith.constant 0 : i32
          %dma_start3A_436 = tpu.memref_slice %arg3[%dma_start3A_435, %mul3A_430] : memref<1x32768xi32, #tpu.memory_space<hbm>> -> memref<1x256xi32, #tpu.memory_space<hbm>>
          %dma_start3A_437 = tpu.memref_slice %run_scoped3A_7[%rem3A_425] : memref<2x!tpu.dma_semaphore, #tpu.memory_space<semaphore_mem>> -> memref<1x!tpu.dma_semaphore, #tpu.memory_space<semaphore_mem>>
          %dma_start3A_438 = tpu.memref_squeeze %dma_start3A_437 : memref<1x!tpu.dma_semaphore, #tpu.memory_space<semaphore_mem>> -> memref<!tpu.dma_semaphore, #tpu.memory_space<semaphore_mem>>
          %dma_start3A_439 = arith.constant 0 : i32
          %dma_start3A_440 = arith.constant 0 : i32
          %dma_start3A_441 = tpu.memref_slice %run_scoped3A[%rem3A_425, %dma_start3A_439, %dma_start3A_440] : memref<2x1x256xi32, #tpu.memory_space<vmem>> -> memref<1x1x256xi32, #tpu.memory_space<vmem>>
          %dma_start3A_442 = tpu.memref_squeeze %dma_start3A_441 : memref<1x1x256xi32, #tpu.memory_space<vmem>> -> memref<1x256xi32, #tpu.memory_space<vmem>>
          %dma_start3A_443 = arith.constant 0 : i32
          %dma_start3A_444 = tpu.memref_slice %arg3[%dma_start3A_443, %mul3A_430] : memref<1x32768xi32, #tpu.memory_space<hbm>> -> memref<1x256xi32, #tpu.memory_space<hbm>>
          tpu.enqueue_dma source(%dma_start3A_444 : memref<1x256xi32, #tpu.memory_space<hbm>>) target(%dma_start3A_442 : memref<1x256xi32, #tpu.memory_space<vmem>>) target_semaphore(%dma_start3A_438 : memref<!tpu.dma_semaphore, #tpu.memory_space<semaphore_mem>>)
          "tpu.trace_stop"() : () -> ()
        } else {
        }
        %and3A_268 = arith.constant true
        %and3A_269 = arith.andi %and3A, %and3A_268 : i1
        %add3A_270 = arith.constant 1 : i32
        %add3A_271 = arith.addi %scan3A_191, %add3A_270 : i32
        %select_n3A_272 = arith.select %and3A_269, %add3A_271, %scan3A_191 : i32
        %mul3A_273 = arith.constant 64 : i32
        %mul3A_274 = arith.muli %add3A_202, %mul3A_273 : i32
        %add3A_275 = arith.addi %mul3A_274, %add3A_203 : i32
        %mul3A_276 = arith.constant 64 : i32
        %mul3A_277 = arith.muli %add3A_238, %mul3A_276 : i32
        %add3A_278 = arith.addi %mul3A_277, %add3A_239 : i32
        %ne3A_279 = arith.cmpi ne, %add3A_275, %add3A_278 : i32
        %or3A_280 = arith.constant false
        %or3A_281 = arith.ori %or3A_280, %ne3A_279 : i1
        %or3A_282 = arith.constant false
        %or3A_283 = arith.ori %or3A_281, %or3A_282 : i1
        %ge3A_284 = arith.constant 3 : i32
        %ge3A_285 = arith.cmpi sge, %scan3A_190, %ge3A_284 : i32
        %not3A_286 = arith.constant true
        %not3A_287 = arith.xori %ge3A_285, %not3A_286 : i1
        %and3A_288 = arith.andi %or3A_283, %not3A_287 : i1
        %mul3A_289 = arith.constant 64 : i32
        %mul3A_290 = arith.muli %add3A_202, %mul3A_289 : i32
        %add3A_291 = arith.addi %mul3A_290, %add3A_203 : i32
        %mul3A_292 = arith.constant 64 : i32
        %mul3A_293 = arith.muli %add3A_220, %mul3A_292 : i32
        %add3A_294 = arith.addi %mul3A_293, %add3A_221 : i32
        %ne3A_295 = arith.cmpi ne, %add3A_291, %add3A_294 : i32
        %or3A_296 = arith.constant false
        %or3A_297 = arith.ori %or3A_296, %ne3A_295 : i1
        %or3A_298 = arith.ori %or3A_297, %eq3A_198 : i1
        %convert_element_type3A_299 = arith.extui %or3A_298 : i1 to i32
        %cond3A_300 = arith.constant 0 : i32
        %cond3A_301 = arith.cmpi ne, %convert_element_type3A_299, %cond3A_300 : i32
        scf.if %cond3A_301 {
          "tpu.trace_start"() <{level = 10 : i32, message = "ep_wait_in"}> : () -> ()
          %mul3A_424 = arith.constant 64 : i32
          %mul3A_425 = arith.muli %add3A_202, %mul3A_424 : i32
          %add3A_426 = arith.addi %mul3A_425, %add3A_203 : i32
          %mul3A_427 = arith.constant 256 : i32
          %mul3A_428 = arith.muli %mul3A_427, %add3A_426 : i32
          %rem3A_429 = arith.constant 2 : i32
          %rem3A_430 = arith.remui %scan3A_192, %rem3A_429 : i32
          %dma_wait3A_431 = arith.constant 0 : i32
          %dma_wait3A_432 = arith.constant 0 : i32
          %dma_wait3A_433 = tpu.memref_slice %run_scoped3A[%rem3A_430, %dma_wait3A_431, %dma_wait3A_432] : memref<2x1x256xi32, #tpu.memory_space<vmem>> -> memref<1x1x256xi32, #tpu.memory_space<vmem>>
          %dma_wait3A_434 = tpu.memref_squeeze %dma_wait3A_433 : memref<1x1x256xi32, #tpu.memory_space<vmem>> -> memref<1x256xi32, #tpu.memory_space<vmem>>
          %dma_wait3A_435 = arith.constant 0 : i32
          %dma_wait3A_436 = tpu.memref_slice %arg3[%dma_wait3A_435, %mul3A_428] : memref<1x32768xi32, #tpu.memory_space<hbm>> -> memref<1x256xi32, #tpu.memory_space<hbm>>
          %dma_wait3A_437 = tpu.memref_slice %run_scoped3A_7[%rem3A_430] : memref<2x!tpu.dma_semaphore, #tpu.memory_space<semaphore_mem>> -> memref<1x!tpu.dma_semaphore, #tpu.memory_space<semaphore_mem>>
          %dma_wait3A_438 = tpu.memref_squeeze %dma_wait3A_437 : memref<1x!tpu.dma_semaphore, #tpu.memory_space<semaphore_mem>> -> memref<!tpu.dma_semaphore, #tpu.memory_space<semaphore_mem>>
          %dma_wait3A_439 = arith.constant 0 : i32
          %dma_wait3A_440 = arith.constant 0 : i32
          %dma_wait3A_441 = tpu.memref_slice %run_scoped3A[%rem3A_430, %dma_wait3A_439, %dma_wait3A_440] : memref<2x1x256xi32, #tpu.memory_space<vmem>> -> memref<1x1x256xi32, #tpu.memory_space<vmem>>
          %dma_wait3A_442 = tpu.memref_squeeze %dma_wait3A_441 : memref<1x1x256xi32, #tpu.memory_space<vmem>> -> memref<1x256xi32, #tpu.memory_space<vmem>>
          %dma_wait3A_443 = arith.constant 0 : i32
          %dma_wait3A_444 = tpu.memref_slice %arg3[%dma_wait3A_443, %mul3A_428] : memref<1x32768xi32, #tpu.memory_space<hbm>> -> memref<1x256xi32, #tpu.memory_space<hbm>>
          tpu.wait_dma2 semaphore(%dma_wait3A_438 : memref<!tpu.dma_semaphore, #tpu.memory_space<semaphore_mem>>) src(%dma_wait3A_444 : memref<1x256xi32, #tpu.memory_space<hbm>>) dst(%dma_wait3A_442 : memref<1x256xi32, #tpu.memory_space<vmem>>)
          "tpu.trace_stop"() : () -> ()
        } else {
        }
        %mul3A_302 = arith.constant 64 : i32
        %mul3A_303 = arith.muli %add3A_202, %mul3A_302 : i32
        %add3A_304 = arith.addi %mul3A_303, %add3A_203 : i32
        %mul3A_305 = arith.constant 64 : i32
        %mul3A_306 = arith.muli %add3A_220, %mul3A_305 : i32
        %add3A_307 = arith.addi %mul3A_306, %add3A_221 : i32
        %ne3A_308 = arith.cmpi ne, %add3A_304, %add3A_307 : i32
        %or3A_309 = arith.constant false
        %or3A_310 = arith.ori %or3A_309, %ne3A_308 : i1
        %or3A_311 = arith.constant false
        %or3A_312 = arith.ori %or3A_310, %or3A_311 : i1
        %or3A_313 = arith.ori %or3A_312, %eq3A_198 : i1
        %convert_element_type3A_314 = arith.extui %or3A_313 : i1 to i32
        %cond3A_315 = arith.constant 0 : i32
        %cond3A_316 = arith.cmpi ne, %convert_element_type3A_314, %cond3A_315 : i32
        scf.if %cond3A_316 {
        } else {
        }
        %rem3A_317 = arith.constant 2 : i32
        %rem3A_318 = arith.remui %scan3A_192, %rem3A_317 : i32
        %rem3A_319 = arith.constant 2 : i32
        %rem3A_320 = arith.remui %scan3A_193, %rem3A_319 : i32
        %run_scoped3A_321 = arith.constant 0 : i32
        "tpu.trace_start"() <{level = 10 : i32, message = "ep_run_kernel"}> : () -> ()
        "tpu.region"() ({
          %run_scoped3A_424 = tpu.sem_alloc : memref<!tpu.dma_semaphore, #tpu.memory_space<semaphore_mem>>
          %dma_start3A_425 = arith.constant 0 : i32
          %dma_start3A_426 = arith.constant 0 : i32
          %dma_start3A_427 = tpu.memref_slice %run_scoped3A_8[%rem3A_320, %dma_start3A_425, %dma_start3A_426] : memref<2x256x128xf32, #tpu.memory_space<vmem>> -> memref<1x256x128xf32, #tpu.memory_space<vmem>>
          %dma_start3A_428 = tpu.memref_squeeze %dma_start3A_427 : memref<1x256x128xf32, #tpu.memory_space<vmem>> -> memref<256x128xf32, #tpu.memory_space<vmem>>
          %dma_start3A_429 = arith.constant 0 : i32
          %dma_start3A_430 = arith.constant 0 : i32
          %dma_start3A_431 = tpu.memref_slice %run_scoped3A[%rem3A_318, %dma_start3A_429, %dma_start3A_430] : memref<2x1x256xi32, #tpu.memory_space<vmem>> -> memref<1x1x256xi32, #tpu.memory_space<vmem>>
          %dma_start3A_432 = tpu.memref_squeeze %dma_start3A_431 : memref<1x1x256xi32, #tpu.memory_space<vmem>> -> memref<1x256xi32, #tpu.memory_space<vmem>>
          %dma_start3A_433 = arith.constant 0 : i32
          %dma_start3A_434 = tpu.memref_slice %dma_start3A_432[%run_scoped3A_321, %dma_start3A_433] : memref<1x256xi32, #tpu.memory_space<vmem>> -> memref<1x256xi32, #tpu.memory_space<vmem>>
          %dma_start3A_435 = tpu.memref_squeeze %dma_start3A_434 : memref<1x256xi32, #tpu.memory_space<vmem>> -> memref<256xi32, #tpu.memory_space<vmem>>
          %dma_start3A_436 = arith.constant 0 : i32
          %dma_start3A_437 = arith.constant 0 : i32
          %dma_start3A_438 = tpu.memref_slice %arg2[%dma_start3A_436, %dma_start3A_437] : memref<640x128xf32, #tpu.memory_space<hbm>> -> memref<640x128xf32, #tpu.memory_space<hbm>>
          tpu.enqueue_indirect_dma source(%dma_start3A_438 : memref<640x128xf32, #tpu.memory_space<hbm>>) target(%dma_start3A_428 : memref<256x128xf32, #tpu.memory_space<vmem>>) offsets(%dma_start3A_435 : memref<256xi32, #tpu.memory_space<vmem>>) semaphore(%run_scoped3A_424 : memref<!tpu.dma_semaphore, #tpu.memory_space<semaphore_mem>>)
          %dma_wait3A_439 = arith.constant 0 : i32
          %dma_wait3A_440 = arith.constant 0 : i32
          %dma_wait3A_441 = tpu.memref_slice %run_scoped3A_8[%rem3A_320, %dma_wait3A_439, %dma_wait3A_440] : memref<2x256x128xf32, #tpu.memory_space<vmem>> -> memref<1x256x128xf32, #tpu.memory_space<vmem>>
          %dma_wait3A_442 = tpu.memref_squeeze %dma_wait3A_441 : memref<1x256x128xf32, #tpu.memory_space<vmem>> -> memref<256x128xf32, #tpu.memory_space<vmem>>
          %dma_wait3A_443 = arith.constant 0 : i32
          %dma_wait3A_444 = arith.constant 0 : i32
          %dma_wait3A_445 = tpu.memref_slice %run_scoped3A[%rem3A_318, %dma_wait3A_443, %dma_wait3A_444] : memref<2x1x256xi32, #tpu.memory_space<vmem>> -> memref<1x1x256xi32, #tpu.memory_space<vmem>>
          %dma_wait3A_446 = tpu.memref_squeeze %dma_wait3A_445 : memref<1x1x256xi32, #tpu.memory_space<vmem>> -> memref<1x256xi32, #tpu.memory_space<vmem>>
          %dma_wait3A_447 = arith.constant 0 : i32
          %dma_wait3A_448 = tpu.memref_slice %dma_wait3A_446[%run_scoped3A_321, %dma_wait3A_447] : memref<1x256xi32, #tpu.memory_space<vmem>> -> memref<1x256xi32, #tpu.memory_space<vmem>>
          %dma_wait3A_449 = tpu.memref_squeeze %dma_wait3A_448 : memref<1x256xi32, #tpu.memory_space<vmem>> -> memref<256xi32, #tpu.memory_space<vmem>>
          %dma_wait3A_450 = arith.constant 0 : i32
          %dma_wait3A_451 = arith.constant 0 : i32
          %dma_wait3A_452 = tpu.memref_slice %arg2[%dma_wait3A_450, %dma_wait3A_451] : memref<640x128xf32, #tpu.memory_space<hbm>> -> memref<640x128xf32, #tpu.memory_space<hbm>>
          tpu.wait_indirect_dma semaphore(%run_scoped3A_424 : memref<!tpu.dma_semaphore, #tpu.memory_space<semaphore_mem>>) src(%dma_wait3A_452 : memref<640x128xf32, #tpu.memory_space<hbm>>) dst(%dma_wait3A_442 : memref<256x128xf32, #tpu.memory_space<vmem>>)
          tpu.yield
        }) : () -> ()
        "tpu.trace_stop"() : () -> ()
        %mul3A_322 = arith.constant 64 : i32
        %mul3A_323 = arith.muli %add3A_202, %mul3A_322 : i32
        %add3A_324 = arith.addi %mul3A_323, %add3A_203 : i32
        %mul3A_325 = arith.constant 64 : i32
        %mul3A_326 = arith.muli %add3A_238, %mul3A_325 : i32
        %add3A_327 = arith.addi %mul3A_326, %add3A_239 : i32
        %ne3A_328 = arith.cmpi ne, %add3A_324, %add3A_327 : i32
        %or3A_329 = arith.constant false
        %or3A_330 = arith.ori %or3A_329, %ne3A_328 : i1
        %or3A_331 = arith.ori %or3A_330, %eq3A_200 : i1
        %convert_element_type3A_332 = arith.extui %or3A_331 : i1 to i32
        %cond3A_333 = arith.constant 0 : i32
        %cond3A_334 = arith.cmpi ne, %convert_element_type3A_332, %cond3A_333 : i32
        scf.if %cond3A_334 {
        } else {
        }
        %and3A_335 = arith.constant false
        %and3A_336 = arith.andi %or3A_331, %and3A_335 : i1
        %mul3A_337 = arith.constant 64 : i32
        %mul3A_338 = arith.muli %add3A_202, %mul3A_337 : i32
        %add3A_339 = arith.addi %mul3A_338, %add3A_203 : i32
        %mul3A_340 = arith.constant 64 : i32
        %mul3A_341 = arith.muli %add3A_238, %mul3A_340 : i32
        %add3A_342 = arith.addi %mul3A_341, %add3A_239 : i32
        %ne3A_343 = arith.cmpi ne, %add3A_339, %add3A_342 : i32
        %or3A_344 = arith.constant false
        %or3A_345 = arith.ori %or3A_344, %ne3A_343 : i1
        %or3A_346 = arith.constant false
        %or3A_347 = arith.ori %or3A_345, %or3A_346 : i1
        %or3A_348 = arith.ori %or3A_347, %eq3A_200 : i1
        %convert_element_type3A_349 = arith.extui %or3A_348 : i1 to i32
        %cond3A_350 = arith.constant 0 : i32
        %cond3A_351 = arith.cmpi ne, %convert_element_type3A_349, %cond3A_350 : i32
        scf.if %cond3A_351 {
          "tpu.trace_start"() <{level = 10 : i32, message = "ep_copy_out"}> : () -> ()
          %rem3A_424 = arith.constant 2 : i32
          %rem3A_425 = arith.remui %scan3A_193, %rem3A_424 : i32
          %mul3A_426 = arith.constant 64 : i32
          %mul3A_427 = arith.muli %add3A_202, %mul3A_426 : i32
          %add3A_428 = arith.addi %mul3A_427, %add3A_203 : i32
          %mul3A_429 = arith.constant 256 : i32
          %mul3A_430 = arith.muli %mul3A_429, %add3A_428 : i32
          %dma_start3A_431 = arith.constant 0 : i32
          %dma_start3A_432 = arith.constant 0 : i32
          %dma_start3A_433 = tpu.memref_slice %run_scoped3A_8[%rem3A_425, %dma_start3A_431, %dma_start3A_432] : memref<2x256x128xf32, #tpu.memory_space<vmem>> -> memref<1x256x128xf32, #tpu.memory_space<vmem>>
          %dma_start3A_434 = tpu.memref_squeeze %dma_start3A_433 : memref<1x256x128xf32, #tpu.memory_space<vmem>> -> memref<256x128xf32, #tpu.memory_space<vmem>>
          %dma_start3A_435 = arith.constant 0 : i32
          %dma_start3A_436 = tpu.memref_slice %arg4[%mul3A_430, %dma_start3A_435] : memref<32768x128xf32, #tpu.memory_space<hbm>> -> memref<256x128xf32, #tpu.memory_space<hbm>>
          %dma_start3A_437 = tpu.memref_slice %run_scoped3A_9[%rem3A_425] : memref<2x!tpu.dma_semaphore, #tpu.memory_space<semaphore_mem>> -> memref<1x!tpu.dma_semaphore, #tpu.memory_space<semaphore_mem>>
          %dma_start3A_438 = tpu.memref_squeeze %dma_start3A_437 : memref<1x!tpu.dma_semaphore, #tpu.memory_space<semaphore_mem>> -> memref<!tpu.dma_semaphore, #tpu.memory_space<semaphore_mem>>
          %dma_start3A_439 = arith.constant 0 : i32
          %dma_start3A_440 = tpu.memref_slice %arg4[%mul3A_430, %dma_start3A_439] : memref<32768x128xf32, #tpu.memory_space<hbm>> -> memref<256x128xf32, #tpu.memory_space<hbm>>
          %dma_start3A_441 = arith.constant 0 : i32
          %dma_start3A_442 = arith.constant 0 : i32
          %dma_start3A_443 = tpu.memref_slice %run_scoped3A_8[%rem3A_425, %dma_start3A_441, %dma_start3A_442] : memref<2x256x128xf32, #tpu.memory_space<vmem>> -> memref<1x256x128xf32, #tpu.memory_space<vmem>>
          %dma_start3A_444 = tpu.memref_squeeze %dma_start3A_443 : memref<1x256x128xf32, #tpu.memory_space<vmem>> -> memref<256x128xf32, #tpu.memory_space<vmem>>
          tpu.enqueue_dma source(%dma_start3A_444 : memref<256x128xf32, #tpu.memory_space<vmem>>) target(%dma_start3A_440 : memref<256x128xf32, #tpu.memory_space<hbm>>) target_semaphore(%dma_start3A_438 : memref<!tpu.dma_semaphore, #tpu.memory_space<semaphore_mem>>)
          "tpu.trace_stop"() : () -> ()
        } else {
        }
        %and3A_352 = arith.constant true
        %and3A_353 = arith.andi %or3A_348, %and3A_352 : i1
        %add3A_354 = arith.constant 1 : i32
        %add3A_355 = arith.addi %scan3A_193, %add3A_354 : i32
        %select_n3A_356 = arith.select %and3A_353, %add3A_355, %scan3A_193 : i32
        %mul3A_357 = arith.constant 64 : i32
        %mul3A_358 = arith.muli %add3A_202, %mul3A_357 : i32
        %add3A_359 = arith.addi %mul3A_358, %add3A_203 : i32
        %mul3A_360 = arith.constant 64 : i32
        %mul3A_361 = arith.muli %add3A_220, %mul3A_360 : i32
        %add3A_362 = arith.addi %mul3A_361, %add3A_221 : i32
        %ne3A_363 = arith.cmpi ne, %add3A_359, %add3A_362 : i32
        %or3A_364 = arith.constant false
        %or3A_365 = arith.ori %or3A_364, %ne3A_363 : i1
        %not3A_366 = arith.constant true
        %not3A_367 = arith.xori %eq3A_198, %not3A_366 : i1
        %and3A_368 = arith.andi %or3A_365, %not3A_367 : i1
        %convert_element_type3A_369 = arith.extui %and3A_368 : i1 to i32
        %cond3A_370 = arith.constant 0 : i32
        %cond3A_371 = arith.cmpi ne, %convert_element_type3A_369, %cond3A_370 : i32
        scf.if %cond3A_371 {
        } else {
        }
        %and3A_372 = arith.constant false
        %and3A_373 = arith.andi %and3A_368, %and3A_372 : i1
        %mul3A_374 = arith.constant 64 : i32
        %mul3A_375 = arith.muli %add3A_202, %mul3A_374 : i32
        %add3A_376 = arith.addi %mul3A_375, %add3A_203 : i32
        %mul3A_377 = arith.constant 64 : i32
        %mul3A_378 = arith.muli %add3A_220, %mul3A_377 : i32
        %add3A_379 = arith.addi %mul3A_378, %add3A_221 : i32
        %ne3A_380 = arith.cmpi ne, %add3A_376, %add3A_379 : i32
        %or3A_381 = arith.constant false
        %or3A_382 = arith.ori %or3A_381, %ne3A_380 : i1
        %or3A_383 = arith.constant false
        %or3A_384 = arith.ori %or3A_382, %or3A_383 : i1
        %not3A_385 = arith.constant true
        %not3A_386 = arith.xori %eq3A_198, %not3A_385 : i1
        %and3A_387 = arith.andi %or3A_384, %not3A_386 : i1
        %convert_element_type3A_388 = arith.extui %and3A_387 : i1 to i32
        %cond3A_389 = arith.constant 0 : i32
        %cond3A_390 = arith.cmpi ne, %convert_element_type3A_388, %cond3A_389 : i32
        scf.if %cond3A_390 {
          "tpu.trace_start"() <{level = 10 : i32, message = "ep_wait_out"}> : () -> ()
          %rem3A_424 = arith.constant 2 : i32
          %rem3A_425 = arith.remui %scan3A_194, %rem3A_424 : i32
          %mul3A_426 = arith.constant 64 : i32
          %mul3A_427 = arith.muli %add3A_220, %mul3A_426 : i32
          %add3A_428 = arith.addi %mul3A_427, %add3A_221 : i32
          %mul3A_429 = arith.constant 256 : i32
          %mul3A_430 = arith.muli %mul3A_429, %add3A_428 : i32
          %dma_wait3A_431 = arith.constant 0 : i32
          %dma_wait3A_432 = arith.constant 0 : i32
          %dma_wait3A_433 = tpu.memref_slice %run_scoped3A_8[%rem3A_425, %dma_wait3A_431, %dma_wait3A_432] : memref<2x256x128xf32, #tpu.memory_space<vmem>> -> memref<1x256x128xf32, #tpu.memory_space<vmem>>
          %dma_wait3A_434 = tpu.memref_squeeze %dma_wait3A_433 : memref<1x256x128xf32, #tpu.memory_space<vmem>> -> memref<256x128xf32, #tpu.memory_space<vmem>>
          %dma_wait3A_435 = arith.constant 0 : i32
          %dma_wait3A_436 = tpu.memref_slice %arg4[%mul3A_430, %dma_wait3A_435] : memref<32768x128xf32, #tpu.memory_space<hbm>> -> memref<256x128xf32, #tpu.memory_space<hbm>>
          %dma_wait3A_437 = tpu.memref_slice %run_scoped3A_9[%rem3A_425] : memref<2x!tpu.dma_semaphore, #tpu.memory_space<semaphore_mem>> -> memref<1x!tpu.dma_semaphore, #tpu.memory_space<semaphore_mem>>
          %dma_wait3A_438 = tpu.memref_squeeze %dma_wait3A_437 : memref<1x!tpu.dma_semaphore, #tpu.memory_space<semaphore_mem>> -> memref<!tpu.dma_semaphore, #tpu.memory_space<semaphore_mem>>
          %dma_wait3A_439 = arith.constant 0 : i32
          %dma_wait3A_440 = tpu.memref_slice %arg4[%mul3A_430, %dma_wait3A_439] : memref<32768x128xf32, #tpu.memory_space<hbm>> -> memref<256x128xf32, #tpu.memory_space<hbm>>
          %dma_wait3A_441 = arith.constant 0 : i32
          %dma_wait3A_442 = arith.constant 0 : i32
          %dma_wait3A_443 = tpu.memref_slice %run_scoped3A_8[%rem3A_425, %dma_wait3A_441, %dma_wait3A_442] : memref<2x256x128xf32, #tpu.memory_space<vmem>> -> memref<1x256x128xf32, #tpu.memory_space<vmem>>
          %dma_wait3A_444 = tpu.memref_squeeze %dma_wait3A_443 : memref<1x256x128xf32, #tpu.memory_space<vmem>> -> memref<256x128xf32, #tpu.memory_space<vmem>>
          tpu.wait_dma2 semaphore(%dma_wait3A_438 : memref<!tpu.dma_semaphore, #tpu.memory_space<semaphore_mem>>) src(%dma_wait3A_444 : memref<256x128xf32, #tpu.memory_space<vmem>>) dst(%dma_wait3A_440 : memref<256x128xf32, #tpu.memory_space<hbm>>)
          "tpu.trace_stop"() : () -> ()
        } else {
        }
        %and3A_391 = arith.constant true
        %and3A_392 = arith.andi %and3A_387, %and3A_391 : i1
        %add3A_393 = arith.constant 1 : i32
        %add3A_394 = arith.addi %scan3A_194, %add3A_393 : i32
        %select_n3A_395 = arith.select %and3A_392, %add3A_394, %scan3A_194 : i32
        %mul3A_396 = arith.constant 64 : i32
        %mul3A_397 = arith.muli %add3A_202, %mul3A_396 : i32
        %add3A_398 = arith.addi %mul3A_397, %add3A_203 : i32
        %mul3A_399 = arith.constant 64 : i32
        %mul3A_400 = arith.muli %add3A_238, %mul3A_399 : i32
        %add3A_401 = arith.addi %mul3A_400, %add3A_239 : i32
        %ne3A_402 = arith.cmpi ne, %add3A_398, %add3A_401 : i32
        %or3A_403 = arith.constant false
        %or3A_404 = arith.ori %or3A_403, %ne3A_402 : i1
        %or3A_405 = arith.ori %or3A_404, %eq3A_200 : i1
        %add3A_406 = arith.constant 1 : i32
        %add3A_407 = arith.addi %scan3A_192, %add3A_406 : i32
        %select_n3A_408 = arith.select %or3A_405, %add3A_407, %scan3A_192 : i32
        %add3A_409 = arith.constant 1 : i32
        %add3A_410 = arith.addi %scan3A_196, %add3A_409 : i32
        %select_n3A_411 = arith.constant true
        %select_n3A_412 = arith.select %select_n3A_411, %add3A_410, %scan3A_196 : i32
        %eq3A_413 = arith.constant 2 : i32
        %eq3A_414 = arith.cmpi eq, %select_n3A_412, %eq3A_413 : i32
        %select_n3A_415 = arith.constant 0 : i32
        %select_n3A_416 = arith.select %eq3A_414, %select_n3A_415, %select_n3A_412 : i32
        %add3A_417 = arith.constant 1 : i32
        %add3A_418 = arith.addi %scan3A_195, %add3A_417 : i32
        %select_n3A_419 = arith.select %eq3A_414, %add3A_418, %scan3A_195 : i32
        %eq3A_420 = arith.constant 2 : i32
        %eq3A_421 = arith.cmpi eq, %select_n3A_419, %eq3A_420 : i32
        %select_n3A_422 = arith.constant 0 : i32
        %select_n3A_423 = arith.select %eq3A_421, %select_n3A_422, %select_n3A_419 : i32
        scf.yield %select_n3A_272, %select_n3A_408, %select_n3A_356, %select_n3A_395, %select_n3A_423, %select_n3A_416 : i32, i32, i32, i32, i32, i32
      }
      %scan3A_98 = arith.constant 4 : i32
      %sub3A = arith.constant 1 : i32
      %sub3A_99 = arith.subi %scan3A_97#5, %sub3A : i32
      %select_n3A_100 = arith.constant true
      %select_n3A_101 = arith.select %select_n3A_100, %sub3A_99, %scan3A_97#5 : i32
      %eq3A_102 = arith.constant -1 : i32
      %eq3A_103 = arith.cmpi eq, %select_n3A_101, %eq3A_102 : i32
      %select_n3A_104 = arith.constant 1 : i32
      %select_n3A_105 = arith.select %eq3A_103, %select_n3A_104, %select_n3A_101 : i32
      %sub3A_106 = arith.constant 1 : i32
      %sub3A_107 = arith.subi %scan3A_97#4, %sub3A_106 : i32
      %select_n3A_108 = arith.select %eq3A_103, %sub3A_107, %scan3A_97#4 : i32
      %eq3A_109 = arith.constant -1 : i32
      %eq3A_110 = arith.cmpi eq, %select_n3A_108, %eq3A_109 : i32
      %select_n3A_111 = arith.constant 1 : i32
      %select_n3A_112 = arith.select %eq3A_110, %select_n3A_111, %select_n3A_108 : i32
      %add3A_113 = arith.constant 0 : i32
      %add3A_114 = arith.addi %select_n3A_112, %add3A_113 : i32
      %add3A_115 = arith.addi %select_n3A_105, %mul3A_6 : i32
      %sub3A_116 = arith.constant 1 : i32
      %sub3A_117 = arith.subi %select_n3A_105, %sub3A_116 : i32
      %select_n3A_118 = arith.constant true
      %select_n3A_119 = arith.select %select_n3A_118, %sub3A_117, %select_n3A_105 : i32
      %eq3A_120 = arith.constant -1 : i32
      %eq3A_121 = arith.cmpi eq, %select_n3A_119, %eq3A_120 : i32
      %select_n3A_122 = arith.constant 1 : i32
      %select_n3A_123 = arith.select %eq3A_121, %select_n3A_122, %select_n3A_119 : i32
      %sub3A_124 = arith.constant 1 : i32
      %sub3A_125 = arith.subi %select_n3A_112, %sub3A_124 : i32
      %select_n3A_126 = arith.select %eq3A_121, %sub3A_125, %select_n3A_112 : i32
      %eq3A_127 = arith.constant -1 : i32
      %eq3A_128 = arith.cmpi eq, %select_n3A_126, %eq3A_127 : i32
      %select_n3A_129 = arith.constant 1 : i32
      %select_n3A_130 = arith.select %eq3A_128, %select_n3A_129, %select_n3A_126 : i32
      %add3A_131 = arith.constant 0 : i32
      %add3A_132 = arith.addi %select_n3A_130, %add3A_131 : i32
      %add3A_133 = arith.addi %select_n3A_123, %mul3A_6 : i32
      %add3A_134 = arith.constant 1 : i32
      %add3A_135 = arith.addi %select_n3A_105, %add3A_134 : i32
      %select_n3A_136 = arith.constant true
      %select_n3A_137 = arith.select %select_n3A_136, %add3A_135, %select_n3A_105 : i32
      %eq3A_138 = arith.constant 2 : i32
      %eq3A_139 = arith.cmpi eq, %select_n3A_137, %eq3A_138 : i32
      %select_n3A_140 = arith.constant 0 : i32
      %select_n3A_141 = arith.select %eq3A_139, %select_n3A_140, %select_n3A_137 : i32
      %add3A_142 = arith.constant 1 : i32
      %add3A_143 = arith.addi %select_n3A_112, %add3A_142 : i32
      %select_n3A_144 = arith.select %eq3A_139, %add3A_143, %select_n3A_112 : i32
      %eq3A_145 = arith.constant 2 : i32
      %eq3A_146 = arith.cmpi eq, %select_n3A_144, %eq3A_145 : i32
      %select_n3A_147 = arith.constant 0 : i32
      %select_n3A_148 = arith.select %eq3A_146, %select_n3A_147, %select_n3A_144 : i32
      %add3A_149 = arith.constant 0 : i32
      %add3A_150 = arith.addi %select_n3A_148, %add3A_149 : i32
      %add3A_151 = arith.addi %select_n3A_141, %mul3A_6 : i32
      %add3A_152 = arith.constant 1 : i32
      %add3A_153 = arith.addi %select_n3A_141, %add3A_152 : i32
      %select_n3A_154 = arith.constant true
      %select_n3A_155 = arith.select %select_n3A_154, %add3A_153, %select_n3A_141 : i32
      %eq3A_156 = arith.constant 2 : i32
      %eq3A_157 = arith.cmpi eq, %select_n3A_155, %eq3A_156 : i32
      %select_n3A_158 = arith.constant 0 : i32
      %select_n3A_159 = arith.select %eq3A_157, %select_n3A_158, %select_n3A_155 : i32
      %add3A_160 = arith.constant 1 : i32
      %add3A_161 = arith.addi %select_n3A_148, %add3A_160 : i32
      %select_n3A_162 = arith.select %eq3A_157, %add3A_161, %select_n3A_148 : i32
      %eq3A_163 = arith.constant 2 : i32
      %eq3A_164 = arith.cmpi eq, %select_n3A_162, %eq3A_163 : i32
      %select_n3A_165 = arith.constant 0 : i32
      %select_n3A_166 = arith.select %eq3A_164, %select_n3A_165, %select_n3A_162 : i32
      %add3A_167 = arith.constant 0 : i32
      %add3A_168 = arith.addi %select_n3A_166, %add3A_167 : i32
      %add3A_169 = arith.addi %select_n3A_159, %mul3A_6 : i32
      "tpu.trace_start"() <{level = 10 : i32, message = "ep_finalize"}> : () -> ()
      %rem3A_170 = arith.constant 2 : i32
      %rem3A_171 = arith.remui %scan3A_97#3, %rem3A_170 : i32
      %mul3A_172 = arith.constant 64 : i32
      %mul3A_173 = arith.muli %add3A_114, %mul3A_172 : i32
      %add3A_174 = arith.addi %mul3A_173, %add3A_115 : i32
      %mul3A_175 = arith.constant 256 : i32
      %mul3A_176 = arith.muli %mul3A_175, %add3A_174 : i32
      %dma_wait3A = arith.constant 0 : i32
      %dma_wait3A_177 = arith.constant 0 : i32
      %dma_wait3A_178 = tpu.memref_slice %run_scoped3A_8[%rem3A_171, %dma_wait3A, %dma_wait3A_177] : memref<2x256x128xf32, #tpu.memory_space<vmem>> -> memref<1x256x128xf32, #tpu.memory_space<vmem>>
      %dma_wait3A_179 = tpu.memref_squeeze %dma_wait3A_178 : memref<1x256x128xf32, #tpu.memory_space<vmem>> -> memref<256x128xf32, #tpu.memory_space<vmem>>
      %dma_wait3A_180 = arith.constant 0 : i32
      %dma_wait3A_181 = tpu.memref_slice %arg4[%mul3A_176, %dma_wait3A_180] : memref<32768x128xf32, #tpu.memory_space<hbm>> -> memref<256x128xf32, #tpu.memory_space<hbm>>
      %dma_wait3A_182 = tpu.memref_slice %run_scoped3A_9[%rem3A_171] : memref<2x!tpu.dma_semaphore, #tpu.memory_space<semaphore_mem>> -> memref<1x!tpu.dma_semaphore, #tpu.memory_space<semaphore_mem>>
      %dma_wait3A_183 = tpu.memref_squeeze %dma_wait3A_182 : memref<1x!tpu.dma_semaphore, #tpu.memory_space<semaphore_mem>> -> memref<!tpu.dma_semaphore, #tpu.memory_space<semaphore_mem>>
      %dma_wait3A_184 = arith.constant 0 : i32
      %dma_wait3A_185 = tpu.memref_slice %arg4[%mul3A_176, %dma_wait3A_184] : memref<32768x128xf32, #tpu.memory_space<hbm>> -> memref<256x128xf32, #tpu.memory_space<hbm>>
      %dma_wait3A_186 = arith.constant 0 : i32
      %dma_wait3A_187 = arith.constant 0 : i32
      %dma_wait3A_188 = tpu.memref_slice %run_scoped3A_8[%rem3A_171, %dma_wait3A_186, %dma_wait3A_187] : memref<2x256x128xf32, #tpu.memory_space<vmem>> -> memref<1x256x128xf32, #tpu.memory_space<vmem>>
      %dma_wait3A_189 = tpu.memref_squeeze %dma_wait3A_188 : memref<1x256x128xf32, #tpu.memory_space<vmem>> -> memref<256x128xf32, #tpu.memory_space<vmem>>
      tpu.wait_dma2 semaphore(%dma_wait3A_183 : memref<!tpu.dma_semaphore, #tpu.memory_space<semaphore_mem>>) src(%dma_wait3A_189 : memref<256x128xf32, #tpu.memory_space<vmem>>) dst(%dma_wait3A_185 : memref<256x128xf32, #tpu.memory_space<hbm>>)
      "tpu.trace_stop"() : () -> ()
      tpu.yield
    }) : () -> ()
    return
  }
}

module attributes {stable_mosaic.version = 14 : i64} {
  func.func @_tc_body(%arg0: i32, %arg1: memref<2048x512xf32, #tpu.memory_space<vmem>>, %arg2: memref<512x768xf32, #tpu.memory_space<vmem>>, %arg3: memref<1x768xf32, #tpu.memory_space<vmem>>, %arg4: memref<2048x2xi32, #tpu.memory_space<vmem>>, %arg5: memref<1x1xf32, #tpu.memory_space<vmem>>, %arg6: memref<1x768xf32, #tpu.memory_space<vmem>>) attributes {dimension_semantics = [#tpu.dimension_semantics<arbitrary>], iteration_bounds = array<i64: 8>, scalar_prefetch = 0 : i64, scratch_operands = 1 : i64, tpu.core_type = #tpu.core_type<tc>, window_params = [{transform_indices = @transform_0, window_bounds = array<i64: 2048, 512>}, {pipeline_mode = #tpu.pipeline_mode<synchronous>, transform_indices = @transform_1, window_bounds = array<i64: 512, 768>}, {pipeline_mode = #tpu.pipeline_mode<synchronous>, transform_indices = @transform_2, window_bounds = array<i64: 1, 768>}, {transform_indices = @transform_3, window_bounds = array<i64: 2048, 2>}, {pipeline_mode = #tpu.pipeline_mode<synchronous>, transform_indices = @transform_4, window_bounds = array<i64: 1, 1>}]} {
    %get3A = arith.constant 0 : index
    %get3A_0 = arith.constant 0 : index
    %get3A_1 = vector.load %arg1[%get3A, %get3A_0] : memref<2048x512xf32, #tpu.memory_space<vmem>>, vector<2048x512xf32>
    %get3A_2 = arith.constant 0 : index
    %get3A_3 = arith.constant 0 : index
    %get3A_4 = vector.load %arg2[%get3A_2, %get3A_3] : memref<512x768xf32, #tpu.memory_space<vmem>>, vector<512x768xf32>
    %dot_general3A = arith.constant dense<0.000000e+00> : vector<2048x768xf32>
    %dot_general3A_5 = tpu.matmul %get3A_1, %get3A_4, %dot_general3A {dimension_numbers = #tpu.dot_dimension_numbers<[1], [0], [0], [1], [0, 0, 1, 1], [], []>, transpose_lhs_hint = false} : vector<2048x512xf32>, vector<512x768xf32>, vector<2048x768xf32> -> vector<2048x768xf32>
    %get3A_6 = arith.constant 0 : index
    %get3A_7 = arith.constant 0 : index
    %get3A_8 = vector.load %arg3[%get3A_6, %get3A_7] : memref<1x768xf32, #tpu.memory_space<vmem>>, vector<1x768xf32>
    %add3A = vector.broadcast %get3A_8 : vector<1x768xf32> to vector<2048x768xf32>
    %add3A_9 = arith.addf %dot_general3A_5, %add3A : vector<2048x768xf32>
    %slice3A = vector.extract_strided_slice %add3A_9 {offsets = [0, 0], sizes = [2048, 384], strides = [1, 1]} : vector<2048x768xf32> to vector<2048x384xf32>
    %slice3A_10 = vector.extract_strided_slice %add3A_9 {offsets = [0, 384], sizes = [2048, 384], strides = [1, 1]} : vector<2048x768xf32> to vector<2048x384xf32>
    %argmax3A = tpu.reduce_index %slice3A {axis = 1 : i32, kind = #tpu.reduction_kind<arg_max>} : vector<2048x384xf32> -> vector<2048xi32>
    %broadcast_in_dim3A = vector.shape_cast %argmax3A : vector<2048xi32> to vector<2048x1xi32>
    %argmax3A_11 = tpu.reduce_index %slice3A_10 {axis = 1 : i32, kind = #tpu.reduction_kind<arg_max>} : vector<2048x384xf32> -> vector<2048xi32>
    %broadcast_in_dim3A_12 = vector.shape_cast %argmax3A_11 : vector<2048xi32> to vector<2048x1xi32>
    %swap3A = arith.constant 0 : index
    %swap3A_13 = arith.constant 0 : index
    %swap3A_14 = vector.load %arg4[%swap3A, %swap3A_13] : memref<2048x2xi32, #tpu.memory_space<vmem>>, vector<2048x1xi32>
    tpu.vector_store %arg4[%swap3A, %swap3A_13], %broadcast_in_dim3A {strides = array<i32>} : memref<2048x2xi32, #tpu.memory_space<vmem>>, vector<2048x1xi32>,
    %add3A_15 = arith.constant 320 : i32
    %add3A_16 = vector.broadcast %add3A_15 : i32 to vector<2048x1xi32>
    %add3A_17 = arith.addi %broadcast_in_dim3A_12, %add3A_16 : vector<2048x1xi32>
    %swap3A_18 = arith.constant 0 : index
    %swap3A_19 = arith.constant 1 : index
    %swap3A_20 = vector.load %arg4[%swap3A_18, %swap3A_19] : memref<2048x2xi32, #tpu.memory_space<vmem>>, vector<2048x1xi32>
    tpu.vector_store %arg4[%swap3A_18, %swap3A_19], %add3A_17 {strides = array<i32>} : memref<2048x2xi32, #tpu.memory_space<vmem>>, vector<2048x1xi32>,
    %iota3A = tpu.iota {dimensions = array<i32: 1>} : vector<2048x384xi32>
    %eq3A = vector.broadcast %broadcast_in_dim3A : vector<2048x1xi32> to vector<2048x384xi32>
    %eq3A_21 = arith.cmpi eq, %iota3A, %eq3A : vector<2048x384xi32>
    %jit3A = arith.constant 1.000000e+00 : f32
    %jit3A_22 = arith.constant 0.000000e+00 : f32
    %broadcast_in_dim3A_23 = vector.broadcast %jit3A : f32 to vector<2048x384xf32>
    %broadcast_in_dim3A_24 = vector.broadcast %jit3A_22 : f32 to vector<2048x384xf32>
    %select_n3A = arith.select %eq3A_21, %broadcast_in_dim3A_23, %broadcast_in_dim3A_24 : vector<2048x384xi1>, vector<2048x384xf32>
    %reduce_sum3A = arith.constant dense<0.000000e+00> : vector<384xf32>
    %reduce_sum3A_25 = vector.multi_reduction <add>, %select_n3A, %reduce_sum3A [0] : vector<2048x384xf32> to vector<384xf32>
    %broadcast_in_dim3A_26 = vector.shape_cast %reduce_sum3A_25 : vector<384xf32> to vector<1x384xf32>
    %eq3A_27 = vector.broadcast %broadcast_in_dim3A_12 : vector<2048x1xi32> to vector<2048x384xi32>
    %eq3A_28 = arith.cmpi eq, %iota3A, %eq3A_27 : vector<2048x384xi32>
    %jit3A_29 = arith.constant 1.000000e+00 : f32
    %jit3A_30 = arith.constant 0.000000e+00 : f32
    %broadcast_in_dim3A_31 = vector.broadcast %jit3A_29 : f32 to vector<2048x384xf32>
    %broadcast_in_dim3A_32 = vector.broadcast %jit3A_30 : f32 to vector<2048x384xf32>
    %select_n3A_33 = arith.select %eq3A_28, %broadcast_in_dim3A_31, %broadcast_in_dim3A_32 : vector<2048x384xi1>, vector<2048x384xf32>
    %reduce_sum3A_34 = arith.constant dense<0.000000e+00> : vector<384xf32>
    %reduce_sum3A_35 = vector.multi_reduction <add>, %select_n3A_33, %reduce_sum3A_34 [0] : vector<2048x384xf32> to vector<384xf32>
    %broadcast_in_dim3A_36 = vector.shape_cast %reduce_sum3A_35 : vector<384xf32> to vector<1x384xf32>
    %concatenate3A = tpu.concatenate %broadcast_in_dim3A_26, %broadcast_in_dim3A_36 in 1 : vector<1x384xf32>, vector<1x384xf32> -> vector<1x768xf32>
    %eq3A_37 = arith.constant 0 : i32
    %eq3A_38 = arith.cmpi eq, %arg0, %eq3A_37 : i32
    %get3A_39 = arith.constant 0 : index
    %get3A_40 = arith.constant 0 : index
    %get3A_41 = vector.load %arg6[%get3A_39, %get3A_40] : memref<1x768xf32, #tpu.memory_space<vmem>>, vector<1x768xf32>
    %add3A_42 = arith.addf %get3A_41, %concatenate3A : vector<1x768xf32>
    %select_n3A_43 = arith.select %eq3A_38, %concatenate3A, %add3A_42 : vector<1x768xf32>
    %swap3A_44 = arith.constant 0 : index
    %swap3A_45 = arith.constant 0 : index
    %swap3A_46 = vector.load %arg6[%swap3A_44, %swap3A_45] : memref<1x768xf32, #tpu.memory_space<vmem>>, vector<1x768xf32>
    tpu.vector_store %arg6[%swap3A_44, %swap3A_45], %select_n3A_43 {strides = array<i32>} : memref<1x768xf32, #tpu.memory_space<vmem>>, vector<1x768xf32>,
    %eq3A_47 = arith.constant 7 : i32
    %eq3A_48 = arith.cmpi eq, %arg0, %eq3A_47 : i32
    %convert_element_type3A = arith.extui %eq3A_48 : i1 to i32
    %cond3A = arith.constant 0 : i32
    %cond3A_49 = arith.cmpi ne, %convert_element_type3A, %cond3A : i32
    scf.if %cond3A_49 {
      %get3A_50 = arith.constant 0 : index
      %get3A_51 = arith.constant 0 : index
      %get3A_52 = vector.load %arg6[%get3A_50, %get3A_51] : memref<1x768xf32, #tpu.memory_space<vmem>>, vector<1x768xf32>
      %mul3A = arith.constant 6.10351563E-5 : f32
      %mul3A_53 = vector.broadcast %mul3A : f32 to vector<1x768xf32>
      %mul3A_54 = arith.mulf %get3A_52, %mul3A_53 : vector<1x768xf32>
      %add3A_55 = arith.constant 1.000000e-07 : f32
      %add3A_56 = vector.broadcast %add3A_55 : f32 to vector<1x768xf32>
      %add3A_57 = arith.addf %mul3A_54, %add3A_56 : vector<1x768xf32>
      %log3A = math.log %add3A_57 : vector<1x768xf32>
      %mul3A_58 = arith.mulf %mul3A_54, %log3A : vector<1x768xf32>
      %slice3A_59 = vector.extract_strided_slice %mul3A_58 {offsets = [0, 0], sizes = [1, 384], strides = [1, 1]} : vector<1x768xf32> to vector<1x384xf32>
      %reduce_sum3A_60 = vector.shape_cast %slice3A_59 : vector<1x384xf32> to vector<1x1x384xf32>
      %reduce_sum3A_61 = arith.constant dense<0.000000e+00> : vector<1xf32>
      %reduce_sum3A_62 = vector.multi_reduction <add>, %reduce_sum3A_60, %reduce_sum3A_61 [1, 2] : vector<1x1x384xf32> to vector<1xf32>
      %reduce_sum3A_63 = vector.shape_cast %reduce_sum3A_62 : vector<1xf32> to vector<1x1x1xf32>
      %reduce_sum3A_64 = vector.extract %reduce_sum3A_63[0, 0, 0] : f32 from vector<1x1x1xf32>
      %broadcast_in_dim3A_65 = vector.broadcast %reduce_sum3A_64 : f32 to vector<1x1xf32>
      %slice3A_66 = vector.extract_strided_slice %mul3A_58 {offsets = [0, 384], sizes = [1, 384], strides = [1, 1]} : vector<1x768xf32> to vector<1x384xf32>
      %reduce_sum3A_67 = vector.shape_cast %slice3A_66 : vector<1x384xf32> to vector<1x1x384xf32>
      %reduce_sum3A_68 = arith.constant dense<0.000000e+00> : vector<1xf32>
      %reduce_sum3A_69 = vector.multi_reduction <add>, %reduce_sum3A_67, %reduce_sum3A_68 [1, 2] : vector<1x1x384xf32> to vector<1xf32>
      %reduce_sum3A_70 = vector.shape_cast %reduce_sum3A_69 : vector<1xf32> to vector<1x1x1xf32>
      %reduce_sum3A_71 = vector.extract %reduce_sum3A_70[0, 0, 0] : f32 from vector<1x1x1xf32>
      %broadcast_in_dim3A_72 = vector.broadcast %reduce_sum3A_71 : f32 to vector<1x1xf32>
      %neg3A = arith.constant 0.000000e+00 : f32
      %neg3A_73 = vector.broadcast %neg3A : f32 to vector<1x1xf32>
      %neg3A_74 = arith.subf %neg3A_73, %broadcast_in_dim3A_65 : vector<1x1xf32>
      %exp3A = math.exp %neg3A_74 : vector<1x1xf32>
      %neg3A_75 = arith.constant 0.000000e+00 : f32
      %neg3A_76 = vector.broadcast %neg3A_75 : f32 to vector<1x1xf32>
      %neg3A_77 = arith.subf %neg3A_76, %broadcast_in_dim3A_72 : vector<1x1xf32>
      %exp3A_78 = math.exp %neg3A_77 : vector<1x1xf32>
      %add3A_79 = arith.addf %exp3A, %exp3A_78 : vector<1x1xf32>
      %swap3A_80 = arith.constant 0 : index
      %swap3A_81 = arith.constant 0 : index
      %swap3A_82 = vector.load %arg5[%swap3A_80, %swap3A_81] : memref<1x1xf32, #tpu.memory_space<vmem>>, vector<1x1xf32>
      tpu.vector_store %arg5[%swap3A_80, %swap3A_81], %add3A_79 {strides = array<i32>} : memref<1x1xf32, #tpu.memory_space<vmem>>, vector<1x1xf32>,
    } else {
    }
    return
  }
  func.func @transform_0(%arg0: i32) -> (i32, i32) {
    %c0_i32 = arith.constant 0 : i32
    %c0_i32_0 = arith.constant 0 : i32
    return %arg0, %c0_i32 : i32, i32
  }
  func.func @transform_1(%arg0: i32) -> (i32, i32) {
    %c0_i32 = arith.constant 0 : i32
    %c0_i32_0 = arith.constant 0 : i32
    %c0_i32_1 = arith.constant 0 : i32
    return %c0_i32, %c0_i32_0 : i32, i32
  }
  func.func @transform_2(%arg0: i32) -> (i32, i32) {
    %c0_i32 = arith.constant 0 : i32
    %c0_i32_0 = arith.constant 0 : i32
    %c0_i32_1 = arith.constant 0 : i32
    return %c0_i32, %c0_i32_0 : i32, i32
  }
  func.func @transform_3(%arg0: i32) -> (i32, i32) {
    %c0_i32 = arith.constant 0 : i32
    %c0_i32_0 = arith.constant 0 : i32
    return %arg0, %c0_i32 : i32, i32
  }
  func.func @transform_4(%arg0: i32) -> (i32, i32) {
    %c0_i32 = arith.constant 0 : i32
    %c0_i32_0 = arith.constant 0 : i32
    %c0_i32_1 = arith.constant 0 : i32
    return %c0_i32, %c0_i32_0 : i32, i32
  }
}

</mosaic_0001>

<sc_bundles>
// kernel: kernel.4.cloned.1.call-start
scs
__scs_entry_jumppad:
0x0: {  	(pc) =	sbr.rel $0x88, $3  }
0x1: {  	(tag) =	ssettag $0x0;
	lr =	simm.s32 $0x1  }
0x2: {  	[smem:$0x3F9D] =	sst lr;
	_ =	strace $0xD0000000  }
0x3: {  	_ = 	snop  }
0x4: {  	_ = 	snop  }
0x5: {  	_ = 	snop  }
0x6: {  	_ = 	snop  }
0x7: {  	_ = 	snop  }
__scs_overlays_trampoline_lowered:
0x8: {  	[smem:$0x3FAC] =	sst s0  }
0x9: {  	[smem:$0x3FAD] =	sst s1  }
0xa: {  	[smem:$0x3FAE] =	sst s2  }
0xb: {  	[smem:$0x3FAF] =	sst s3  }
0xc: {  	[smem:$0x3FB0] =	sst s4  }
0xd: {  	[smem:$0x3FB1] =	sst s5  }
0xe: {  	[smem:$0x3FB2] =	sst s6  }
0xf: {  	[smem:$0x3FB3] =	sst s7  }
0x10: {  	[smem:$0x3FB4] =	sst s8  }
0x11: {  	[smem:$0x3FB5] =	sst s9;
	s0 =	simm.s32 @!p0 $0x0  }
0x12: {  	s1 =	sld [smem:$0x3F9B];
	s0 =	simm.s32 @p0 $0x1  }
0x13: {  	[smem:$0x3FB6] =	sst s0;
	s0 =	simm.s32 @!p1 $0x0  }
0x14: {  	s2 =	sld [smem:$0x3F9A];
	s0 =	simm.s32 @p1 $0x1  }
0x15: {  	[smem:$0x3FB7] =	sst s0;
	s0 =	simm.s32 @!p2 $0x0  }
0x16: {  	s3 =	sld [smem:$0x3FDB];
	s0 =	simm.s32 @p2 $0x1  }
0x17: {  	s4 =	simm.s32 $0x1BF5;
	[smem:$0x3FB9] =	sst s0  }
0x18: {  	s0 =	sld [smem:$0x3F9C];
	_ =	swait.ge [sflag:s4], $0x0  }
0x19: {  	s7 =	sld [smem:$0x3F9D]  }
0x1a: {  	s8 =	sadd.s32 $0xFFFFE003, lr  }
0x1b: {  	s9 =	sadd.s32 $0xFFFFFEF7, lr;
	s5 =	simm.s32 $0xFFFFFFFF;
	p2 =	slt.u32 s8, $0xFFFFF086  }
0x1c: {  	p1 =	slt.u32 s9, $0xF7A;
	s5 =	simm.s32 @!p2 $0x0  }
0x1d: {  	s5 =	simm.s32 @p1 $0x1;
	p0 =	seq.s32 s7, s2  }
0x1e: {  	s7 =	smul.u32 @!p0 $0xF7A, s2;
	p2 =	seq.s32 @!p0 s5, $0x0  }
0x1f: {  	s9 =	smul.u32 $0xF7A, s1;
	s8 =	simm.s32 @!p0 $0x1BF5;
	p2 =	por !p2, p0  }
0x20: {  	[sflag:s8] =	ssyncset.s32 @!p0 $0xFFFFF086;
	s6 =	sadd.s32 @!p0 s3, s7;
	s7 =	simm.s32 @!p0 $0x108  }
0x21: {  	s3 =	sadd.s32 s3, s9;
	s6 =	sadd.s32 @!p0 $0x88, s6;
	s7 =	simm.s32 @p2 $0x1082  }
0x22: {  	[simem:s7], [sflag:s8] =	dma.local @!p0 [hbm:s6], $0xF7A  }
0x23: {  	s9 =	sor.u32 $0xD0000000, s2;
	s6 =	simm.s32 $0x108;
	_ =	swait.ge @!p0 [sflag:s8], $0x0  }
0x24: {  	s3 =	sadd.s32 $0x88, s3;
	s6 =	simm.s32 @!p1 $0x1082;
	[sflag:s4] =	ssyncset.s32 $0xFFFFF086  }
0x25: {  	[simem:s6], [sflag:s4] =	dma.local [hbm:s3], $0xF7A  }
0x26: {  	[smem:$0x3F9D] =	sst s1;
	(tag) =	ssettag s2;
	_ =	strace s9  }
0x27: {  	s1 =	sld [smem:$0x3FAD]  }
0x28: {  	s2 =	sld [smem:$0x3FAE]  }
0x29: {  	s4 =	sld [smem:$0x3FB0]  }
0x2a: {  	p0 =	seq.s32 s5, $0x0;
	s5 =	sld [smem:$0x3FB1]  }
0x2b: {  	s6 =	sld [smem:$0x3FB2]  }
0x2c: {  	s7 =	sld [smem:$0x3FB3]  }
0x2d: {  	s3 =	simm.s32 $0x108;
	s8 =	sld [smem:$0x3FB4]  }
0x2e: {  	s3 =	simm.s32 @!p0 $0x1082;
	s9 =	sld [smem:$0x3FB5]  }
0x2f: {  	lr =	sadd.s32 s0, s3;
	s0 =	sld [smem:$0x3FAC]  }
0x30: {  	s3 =	sld [smem:$0x3FAF]  }
0x31: {  	[smem:$0x3FB8] =	sst s10  }
0x32: {  	s10 =	sld [smem:$0x3FB6];
	_ =	sdelay $0x3  }
0x33: {  	p0 =	seq.s32 s10, $0x1;
	s10 =	sld [smem:$0x3FB8];
	_ =	sdelay $0x3  }
0x34: {  	[smem:$0x3FB8] =	sst s10  }
0x35: {  	s10 =	sld [smem:$0x3FB7];
	_ =	sdelay $0x3  }
0x36: {  	p1 =	seq.s32 s10, $0x1;
	s10 =	sld [smem:$0x3FB8];
	_ =	sdelay $0x3  }
0x37: {  	[smem:$0x3FB8] =	sst s10  }
0x38: {  	s10 =	sld [smem:$0x3FB9]  }
0x39: {  	_ = 	snop;
	(pc) =	sbr.ind lr, $3  }
0x3a: {  	_ = 	snop  }
0x3b: {  	_ = 	snop  }
0x3c: {  	p2 =	seq.s32 s10, $0x1;
	s10 =	sld [smem:$0x3FB8]  }
0x3d: {  	_ =	shalt  }
0x3e: {  	_ =	shalt  }
0x3f: {  	_ =	shalt  }
0x40: {  	_ =	shalt  }
0x41: {  	_ =	shalt  }
0x42: {  	_ =	shalt  }
0x43: {  	_ =	shalt  }
0x44: {  	_ =	shalt  }
0x45: {  	_ =	shalt  }
0x46: {  	_ =	shalt  }
0x47: {  	_ =	shalt  }
0x48: {  	_ =	shalt  }
0x49: {  	_ =	shalt  }
0x4a: {  	_ =	shalt  }
0x4b: {  	_ =	shalt  }
0x4c: {  	_ =	shalt  }
0x4d: {  	_ =	shalt  }
0x4e: {  	_ =	shalt  }
0x4f: {  	_ =	shalt  }
0x50: {  	_ =	shalt  }
0x51: {  	_ =	shalt  }
0x52: {  	_ =	shalt  }
0x53: {  	_ =	shalt  }
0x54: {  	_ =	shalt  }
0x55: {  	_ =	shalt  }
0x56: {  	_ =	shalt  }
0x57: {  	_ =	shalt  }
0x58: {  	_ =	shalt  }
0x59: {  	_ =	shalt  }
0x5a: {  	_ =	shalt  }
0x5b: {  	_ =	shalt  }
0x5c: {  	_ =	shalt  }
0x5d: {  	_ =	shalt  }
0x5e: {  	_ =	shalt  }
0x5f: {  	_ =	shalt  }
0x60: {  	_ =	shalt  }
0x61: {  	_ =	shalt  }
0x62: {  	_ =	shalt  }
0x63: {  	_ =	shalt  }
0x64: {  	_ =	shalt  }
0x65: {  	_ =	shalt  }
0x66: {  	_ =	shalt  }
0x67: {  	_ =	shalt  }
0x68: {  	_ =	shalt  }
0x69: {  	_ =	shalt  }
0x6a: {  	_ =	shalt  }
0x6b: {  	_ =	shalt  }
0x6c: {  	_ =	shalt  }
0x6d: {  	_ =	shalt  }
0x6e: {  	_ =	shalt  }
0x6f: {  	_ =	shalt  }
0x70: {  	_ =	shalt  }
0x71: {  	_ =	shalt  }
0x72: {  	_ =	shalt  }
0x73: {  	_ =	shalt  }
0x74: {  	_ =	shalt  }
0x75: {  	_ =	shalt  }
0x76: {  	_ =	shalt  }
0x77: {  	_ =	shalt  }
0x78: {  	_ =	shalt  }
0x79: {  	_ =	shalt  }
0x7a: {  	_ =	shalt  }
0x7b: {  	_ =	shalt  }
0x7c: {  	_ =	shalt  }
0x7d: {  	_ =	shalt  }
0x7e: {  	_ =	shalt  }
0x7f: {  	_ =	shalt  }
0x80: {  	_ =	shalt  }
0x81: {  	_ =	shalt  }
0x82: {  	_ =	shalt  }
0x83: {  	_ =	shalt  }
0x84: {  	_ =	shalt  }
0x85: {  	_ =	shalt  }
0x86: {  	_ =	shalt  }
0x87: {  	_ =	shalt  }
.Lfunc_end0:
.L_simem_size_0:
called_computation_lowered:
.L_overlay_start_0:
0x88: {  	s2 =	sld [smem:$0x3FD9]  }
0x89: {  	s3 =	sld [smem:$0x3FFE];
	_ =	sdelay $0x1  }
0x8a: {  	s1 =	srdreg.scid  }
0x8b: {  	s0 =	sand.u32 $0x1, s1  }
0x8c: {  	s14 =	sshll.u32 s0, $0xA;
	s2 =	sadd.s32 s3, s2  }
0x8d: {  	s2 =	sadd.s32 s2, s14  }
0x8e: {  	[smem:$0x3FC4] =	sst s2  }
0x8f: {  	_ = 	snop  }
0x90: {  	s2 =	sld [smem:$0x3FD0];
	_ =	sdelay $0x2  }
0x91: {  	s4 =	simm.s32 $0xA;
	s5 =	simm.s32 $0x10;
	s15 =	sld [smem:$0x3FC8]  }
0x92: {  	[smem:s5], [sflag:s4] =	dma.local [hbm:s2], $0x1  }
0x93: {  	_ =	swait.eq [sflag:s4], $0x1  }
0x94: {  	[sflag:s4] =	ssyncset.done $0x0  }
0x95: {  	[sflag:s4] =	ssyncadd.s32 $0xFFFFFFFF  }
0x96: {  	s16 =	sld [smem:$0x10];
	(tm) =	ssettm $0x1  }
0x97: {  	s17 =	sld [smem:$0x3FFB];
	_ =	sdelay $0x3  }
0x98: {  	_ =	strace s17  }
0x99: {  	s4 =	sld [smem:$0x3FFC];
	_ =	sdelay $0x3  }
0x9a: {  	_ =	strace s4  }
0x9b: {  	s4 =	sld [smem:$0x3FFD];
	_ =	sdelay $0x3  }
0x9c: {  	_ =	strace s4  }
0x9d: {  	_ =	strace $0x8FFFFFFF  }
0x9e: {  	s18 =	sld [smem:$0x3FDB];
	_ =	sdelay $0x1  }
0x9f: {  	s19 =	simm.s32 $_scs_section_size  }
0xa0: {  	s6 =	simm.s32 $_size__tile_overlayer_lowered;
	s7 =	simm.s32 $_tile_overlayer_lowered  }
0xa1: {  	s22 =	simm.s32 $0x1BFF;
	s21 =	sshll.u32 s7, $0x1;
	s4 =	sadd.s32 s19, s18  }
0xa2: {  	s8 =	simm.s32 $0x0;
	s20 =	sshll.u32 s6, $0x1;
	s6 =	sadd.s32 s21, s4  }
0xa3: {  	[timem:s8], [sflag:s22] =	dma.local [hbm:s6], s20  }
0xa4: {  	_ =	swait.ge [sflag:s22], s20  }
0xa5: {  	s5 =	ssub.s32 $0x0, s20;
	[sflag:s22] =	ssyncset.done $0x0  }
0xa6: {  	[sflag:s22] =	ssyncadd.s32 s5;
	_ =	sdelay $0x1  }
0xa7: {  	s23 =	simm.s32 $0x1B8B  }
0xa8: {  	_ =	swait.ge [sflag:s23], $0x1  }
0xa9: {  	[sflag:s23] =	ssyncset.done $0x0  }
0xaa: {  	s25 =	simm.s32 $0x1B8E;
	s24 =	sld [smem:$0x3FFE];
	[sflag:s23] =	ssyncadd.s32 $0xFFFFFFFF  }
0xab: {  	s26 =	simm.s32 $execute0_lowered;
	[smem:$0x3FD2] =	sst s25  }
0xac: {  	s6 =	sshll.u32 s26, $0x1;
	_ =	strace $0x80000046;
	[dreg:$0x1] =	wrdreg $0xFFFFFFFF  }
0xad: {  	s28 =	simm.s32 $_size_execute0_lowered;
	s4 =	sadd.s32 s4, s6;
	[dreg:$0x0] =	wrdreg $0x0  }
0xae: {  	s6 =	sshll.u32 s28, $0x1;
	[dreg:$0x2] =	wrdreg s4  }
0xaf: {  	[dreg:$0x3] =	wrdreg s6  }
0xb0: {  	[dreg:$0x4] =	wrdreg $0xC0  }
0xb1: {  	_ =	task [dreg:s8], $0x5FFFF  }
0xb2: {  	[dreg:$0x1] =	wrdreg $0xFFFFFFFF  }
0xb3: {  	[dreg:$0x0] =	wrdreg $0x60  }
0xb4: {  	[dreg:$0x2] =	wrdreg s15  }
0xb5: {  	[dreg:$0x3] =	wrdreg s16  }
0xb6: {  	[dreg:$0x4] =	wrdreg s24  }
0xb7: {  	[dreg:$0x5] =	wrdreg $0x9  }
0xb8: {  	_ =	task.clear_ibuf [dreg:s8], $0x6FFFF;
	_ =	strace $0x90000046  }
0xb9: {  	s29 =	simm.s32 $0x9;
	_ =	strace $0x8000004F  }
0xba: {  	_ =	swait.ge [sflag:s29], $0x1  }
0xbb: {  	[sflag:s29] =	ssyncadd.s32 $0xFFFFFFFF  }
0xbc: {  	_ =	strace $0x9000004F  }
0xbd: {  	_ =	sfence  }
0xbe: {  	s30 =	sld [smem:$0x0];
	_ =	sdelay $0x2  }
0xbf: {  	s31 =	sshll.u32 s1, $0xD;
	s1 =	sshrl.u32 s1, $0x2  }
0xc0: {  	s3 =	sand.u32 $0x4000, s31;
	s1 =	sadd.s32 s1, s30  }
0xc1: {  	s0 =	sor.u32 s3, s0;
	s1 =	sshll.u32 s1, $0x11  }
0xc2: {  	s0 =	sor.u32 s1, s0  }
0xc3: {  	s0 =	sadd.s32 $0x8F2B, s0  }
0xc4: {  	[sflag:s0] =	ssyncadd.remote.s32 $0x1  }
0xc5: {  	_ =	sfence.sel $0xFFFF  }
0xc6: {  	[dreg:$0x0] =	wrdreg $0xFFFFFFFF;
	(pc) =	sbr.abs _section_cstart, $3  }
0xc7: {  	[dreg:$0x1] =	wrdreg $0xFFFFFFFF  }
0xc8: {  	_ =	task.clear_ibuf [dreg:s8], $0x2FFFF;
	_ =	strace $0x9FFFFFFF  }
0xc9: {  	(tm) =	ssettm $0x7FFFFFFF  }
tec
execute0_lowered:
.L_overlay_start_1:
0x0: {  	(tag) =	ssettag $0x1  }
0x1: {  	s1 =	rddreg [dreg:$0x0]  }
0x2: {  	s2 =	rddreg [dreg:$0x1]  }
0x3: {  	s5 =	rddreg [dreg:$0x2]  }
0x4: {  	s0 =	rddreg [dreg:$0x3];
	s4 =	simm.s32 $0x0  }
0x5: {  	s3 =	srdreg.scid;
	s9 =	simm.s32 $0x100;
	s10 =	simm.s32 $0x5  }
0x6: {  	s11 =	simm.s32 $0x0;
	[smem:$0x7FF] =	sst s4;
	s6 =	sand.u32 $0x1, s3  }
0x7: {  	s3 =	stileid.u32;
	s7 =	ssub.s32 $0x2, s6;
	s6 =	sshll.u32 s6, $0x4  }
0x8: {  	s5 =	sadd.s32 $0x600, s5;
	s8 =	sshrl.u32 s7, $0x1;
	s6 =	sor.u32 s3, s6  }
0x9: {  	_ =	strace $0x80000047;
	s8 =	ssub.s32 s7, s8;
	s31 =	sshll.u32 s6, $0x6  }
0xa: {  	s6 =	sshll.u32 s6, $0x1;
	s7 =	sadd.s32 s2, s31;
	s8 =	smax.u32 s8, $0x1  }
.LBB2_1:
0xb: {  	_ =	strace $0x80000048;
	s12 =	simm.s32 $0x4;
	s13 =	simm.s32 $0x0  }
0xc: {  	s15 =	simm.s32 $0x0;
	s14 =	simm.s32 $0x0;
	s16 =	simm.s32 $0x0  }
0xd: {  	[tilespmem:s4], [sflag:$0x1] =	stream.linear.gather [hbm4b:s7+s4], $0x100, $0x200038;
	[tilespmem:$0x10200] =	vst v63  }
0xe: {  	s17 =	simm.s32 $0x0;
	s18 =	simm.s32 $0x1;
	_ =	strace $0x90000048  }
.LBB2_2:
0xf: {  	s19 =	sadd.s32 s6, s13  }
0x10: {  	s20 =	sadd.s32 $0xFFFFFFFF, s13;
	p2 =	seq.s32 s13, $0x0;
	s13 =	sadd.s32 $0x1, s13  }
0x11: {  	s21 =	simm.s32 $0x1;
	p0 =	seq.s32 s13, $0x2  }
0x12: {  	s21 =	simm.s32 @!p0 $0x0  }
0x13: {  	s22 =	smov.u32 s15;
	s15 =	sadd.s32 s21, s15  }
0x14: {  	p1 =	seq.s32 s15, $0x2  }
0x15: {  	s13 =	simm.s32 @p0 $0x0;
	s15 =	simm.s32 @p1 $0x0  }
0x16: {  	s23 =	sshll.u32 s22, $0x6;
	s29 =	sadd.s32 s6, s13;
	s24 =	sshll.u32 s15, $0x6  }
0x17: {  	s19 =	sadd.s32 s23, s19;
	s21 =	sadd.s32 s24, s29  }
0x18: {  	p3 =	sne.s32 s12, $0x1;
	p6 =	sne.s32 s19, s21  }
0x19: {  	s23 =	simm.s32 $0x1;
	p0 =	por !p3, !p6  }
0x1a: {  	s23 =	simm.s32 @!p2 $0x0;
	p0 =	por !p0, !p0  }
0x1b: {  	s22 =	ssub.s32 s22, s23;
	s23 =	sand.u32 @p0 $0x1, s18;
	s21 =	sshll.u32 @p0 s21, $0x5  }
0x1c: {  	_ =	strace @p0 $0x80000049;
	s25 =	simm.s32 @p0 $0x0;
	s21 =	sand.u32 @p0 $0x1FFFFFE0, s21  }
0x1d: {  	s24 =	sshll.u32 @p0 s23, $0x8;
	s23 =	sadd.s32 @p0 $0x1, s23;
	s21 =	sadd.s32 @p0 s2, s21  }
0x1e: {  	[tilespmem:s24], [sflag:s23] =	stream.linear.gather @p0 [hbm4b:s21+s25], $0x100, $0x200038;
	[tilespmem:$0x10200] =	vst v63  }
0x1f: {  	s20 =	simm.s32 @p2 $0x1;
	p2 =	seq.s32 s22, $0xFFFFFFFF;
	s21 =	sshll.u32 s22, $0x6  }
0x20: {  	s20 =	sadd.s32 s6, s20;
	s21 =	simm.s32 @p2 $0x40  }
0x21: {  	p2 =	seq.s32 s12, $0x4;
	s20 =	sadd.s32 s21, s20  }
0x22: {  	p3 =	seq.s32 @!p2 s19, s20  }
0x23: {  	p2 =	por p2, !p3  }
0x24: {  	_ =	strace @p0 $0x90000049;
	s21 =	sand.u32 @p2 $0x1, s17  }
0x25: {  	_ =	strace @p2 $0x8000004A;
	s21 =	sadd.s32 @p2 $0x1, s21  }
0x26: {  	_ =	swait.ge @p2 [sflag:s21], $0x100  }
0x27: {  	s31 =	sshll.u32 s17, $0x8;
	p4 =	seq.s32 s12, $0x1;
	[sflag:s21] =	ssyncset.done @p2 $0x0  }
0x28: {  	p1 =	por p4, p6;
	[sflag:s21] =	ssyncadd.s32 @p2 $0xFFFFFF00;
	s21 =	sand.u32 $0x1, s16  }
0x29: {  	p6 =	sne.s32 s12, $0x4;
	_ =	strace @p2 $0x9000004A;
	s30 =	sshll.u32 s21, $0xF  }
0x2a: {  	s23 =	sand.u32 $0x100, s31;
	_ =	strace $0x8000004B;
	s22 =	sor.u32 $0x200, s30  }
0x2b: {  	[tilespmem:s22], [sflag:$0x5] =	stream.indirect.gather [hbm4b:s1+s9], $0x80, s23, s9, $0x2000b8;
	[tilespmem:$0x10200] =	vst v63  }
0x2c: {  	p5 =	sne.s32 s19, s20;
	s19 =	sshll.u32 @p1 s19, $0xC;
	_ =	swait.ge [sflag:s10], $0x8000  }
0x2d: {  	s20 =	simm.s32 $0x1;
	s19 =	sand.u32 @p1 $0x1FFFF000, s19;
	[sflag:s10] =	ssyncset.done $0x0  }
0x2e: {  	s20 =	simm.s32 @!p0 $0x0;
	s19 =	sadd.s32 @p1 s5, s19;
	[sflag:s10] =	ssyncadd.s32 $0xFFFF8000  }
0x2f: {  	p2 =	por !p6, !p5;
	s21 =	sadd.s32 @p1 $0x3, s21;
	_ =	strace $0x9000004B  }
0x30: {  	p0 =	por !p2, !p2;
	s23 =	simm.s32 @p1 $0x0;
	_ =	strace @p1 $0x8000004C  }
0x31: {  	[hbm4b:s19+s23] =	stream.linear.scatter @p1 [tilespmem:s22], [sflag:s21], $0x8000, $0x200038;
	[tilespmem:$0x10200] =	vst v63  }
0x32: {  	s12 =	sadd.s32 $0xFFFFFFFF, s12;
	s19 =	simm.s32 $0x1;
	s21 =	sand.u32 @p0 $0x1, s14  }
0x33: {  	_ =	strace @p1 $0x9000004C;
	s19 =	simm.s32 @!p1 $0x0;
	p1 =	sne.s32 s12, $0x0  }
.Ltmp0:
0x34: {  	s21 =	sadd.s32 @p0 $0x3, s21;
	_ =	strace @p0 $0x8000004D;
	(pc) =	sbr.rel @p1 .LBB2_2-.Ltmp0, $4  }
0x35: {  	s18 =	sadd.s32 s20, s18;
	s20 =	simm.s32 $0x1;
	_ =	swait.ge @p0 [sflag:s21], $0x8000  }
0x36: {  	s20 =	simm.s32 @!p0 $0x0;
	[sflag:s21] =	ssyncset.done @p0 $0x0  }
0x37: {  	s14 =	sadd.s32 s20, s14;
	[sflag:s21] =	ssyncadd.s32 @p0 $0xFFFF8000  }
0x38: {  	s16 =	sadd.s32 s19, s16;
	s17 =	sadd.s32 s19, s17;
	_ =	strace @p0 $0x9000004D  }
0x39: {  	s11 =	sadd.s32 $0x1, s11  }
0x3a: {  	s12 =	sand.u32 $0x1, s14;
	p0 =	sne.s32 s11, s8  }
.Ltmp1:
0x3b: {  	_ =	strace $0x8000004E;
	s12 =	sadd.s32 $0x3, s12;
	(pc) =	sbr.rel @p0 .LBB2_1-.Ltmp1, $4  }
0x3c: {  	_ =	swait.ge [sflag:s12], $0x8000  }
0x3d: {  	[sflag:s12] =	ssyncset.done $0x0  }
0x3e: {  	[sflag:s12] =	ssyncadd.s32 $0xFFFF8000  }
0x3f: {  	_ =	strace $0x9000004E  }
0x40: {  	_ =	sfence.sel $0x180000  }
0x41: {  	[bflag:$0x0] =	sbarrier.arrive $0xFFFF  }
0x42: {  	p0 =	sne.s32 s3, $0x0;
	_ =	strace $0x90000047  }
0x43: {  	s0 =	sadd.s32 @!p0 $0x100000, s0;
	[bflag:$0x2] =	sbarrier.arrive $0xFFFF  }
0x44: {  	[sflag:s0] =	ssyncadd.tile.s32 @!p0 $0x1;
	_ =	shalt  }
.Lfunc_end2:
_tile_overlayer_lowered:
.L_overlay_start_2:
0x45: {  	(tag) =	ssettag $0x2  }
0x46: {  	s0 =	rddreg [dreg:$0x0];
	s2 =	stileid.u32  }
0x47: {  	s1 =	rddreg [dreg:$0x1];
	p0 =	sne.s32 s2, $0x0  }
0x48: {  	s3 =	rddreg [dreg:$0x2];
	[bflag:$0x3] =	sbarrier.arrive $0xFFFF;
	s2 =	simm.s32 @!p0 $0x1C01  }
0x49: {  	[timem:s3], [sflag:s2] =	dma.local @!p0 [hbm:s0], s1  }
0x4a: {  	s0 =	simm.s32 @!p0 $0x1  }
0x4b: {  	_ =	swait.ge @!p0 [sflag:s0], s1  }
0x4c: {  	s1 =	ssub.s32 @!p0 $0x0, s1;
	[sflag:s0] =	ssyncset.done @!p0 $0x0  }
0x4d: {  	[sflag:s0] =	ssyncadd.s32 @!p0 s1  }
0x4e: {  	[bflag:$0x3] =	sbarrier.arrive $0xFFFF  }
0x4f: {  	_ =	shalt  }

</sc_bundles>
